<compile_context>
chip_gen: v7x
topology: tpu7x:2x2x1
jax: 0.10.2.dev20260603
libtpu: 0.0.44.dev20260713+nightly
codegen_flags: <defaults>
</compile_context>

<pallas_src>
import functools

import jax
import jax.numpy as jnp
from jax import lax
from jax.experimental import pallas as pl
from jax.experimental.pallas import tpu as pltpu
from jax.experimental.pallas import tpu_sc as plsc

_B = 16
_H = 512
_W = 512
_S = 4096
_NW = 32
_SPW = (_B * _S) // _NW
_LANES = 16
_CHUNKS = _SPW // _LANES
_GCH = 128
_NGATHER = _SPW // _GCH
_ROWS_PER_IMG = (_H * _W) // _LANES


def _round_half_even_idx(x_f32, limit):
    del limit
    t = x_f32 + jnp.float32(0.5)
    f = t.astype(jnp.int32)
    tie_odd = (f.astype(jnp.float32) == t) & ((f & 1) == 1)
    return f - jnp.where(tie_odd, jnp.int32(1), jnp.int32(0))


def _sc_body(pred_hbm, tgt_hbm, u_hbm, v_hbm, out_hbm,
             u_v, v_v, row_v, lane_v, prow_v, trow_v, out_v, sem):
    wid = lax.axis_index("s") * 2 + lax.axis_index("c")
    b = wid // 2
    base = wid * _SPW

    cu = pltpu.async_copy(u_hbm.at[pl.ds(base, _SPW)], u_v, sem)
    cv = pltpu.async_copy(v_hbm.at[pl.ds(base, _SPW)], v_v, sem)
    cu.wait()
    cv.wait()

    row_base = b * _ROWS_PER_IMG
    _PER_BLK = _GCH // _LANES

    def idx_block(j, _):
        for k in range(_PER_BLK):
            off = j * _GCH + k * _LANES
            u16 = u_v[pl.ds(off, _LANES)]
            v16 = v_v[pl.ds(off, _LANES)]
            x = _round_half_even_idx(u16 * jnp.float32(_W - 1), _W - 1)
            y = _round_half_even_idx(v16 * jnp.float32(_H - 1), _H - 1)
            p = ((y >> 3) * 4 + (x >> 7)) * 1024 + (y & 7) * 128 + (x & 127)
            row_v[pl.ds(off, _LANES)] = row_base + (p >> 4)
            lane_v[pl.ds(off, _LANES)] = p & 15
        sl = pl.ds(j * _GCH, _GCH)
        pltpu.async_copy(pred_hbm.at[row_v.at[sl]], prow_v.at[sl], sem)
        pltpu.async_copy(tgt_hbm.at[row_v.at[sl]], trow_v.at[sl], sem)
        return _

    plsc.parallel_loop(0, _NGATHER)(lambda j: idx_block(j, None))

    iota16 = lax.iota(jnp.int32, _LANES)

    def acc_block(j, acc):
        sl = pl.ds(j * _GCH, _GCH)
        pltpu.make_async_copy(pred_hbm.at[row_v.at[sl]], prow_v.at[sl],
                              sem).wait()
        pltpu.make_async_copy(tgt_hbm.at[row_v.at[sl]], trow_v.at[sl],
                              sem).wait()
        base0 = iota16 + j * _GCH
        for k in range(_PER_BLK):
            off = j * _GCH + k * _LANES
            idx0 = base0 + k * _LANES
            lanes = lane_v[pl.ds(off, _LANES)]
            pv = plsc.load_gather(prow_v, [idx0, lanes])
            tv = plsc.load_gather(trow_v, [idx0, lanes])
            d = pv - tv
            acc = acc + d * d
        return acc

    acc = lax.fori_loop(0, _NGATHER, acc_block,
                        jnp.zeros((_LANES,), jnp.float32))
    total = jnp.sum(acc, axis=0)
    out_v[...] = jnp.full((_LANES,), total, jnp.float32)
    pltpu.sync_copy(out_v, out_hbm.at[wid])


_sc_gather_mse = functools.partial(
    pl.kernel,
    mesh=plsc.VectorSubcoreMesh(core_axis_name="c", subcore_axis_name="s"),
    out_type=jax.ShapeDtypeStruct((_NW, _LANES), jnp.float32),
    scratch_types=[
        pltpu.VMEM((_SPW,), jnp.float32),
        pltpu.VMEM((_SPW,), jnp.float32),
        pltpu.VMEM((_SPW,), jnp.int32),
        pltpu.VMEM((_SPW,), jnp.int32),
        pltpu.VMEM((_SPW, _LANES), jnp.float32),
        pltpu.VMEM((_SPW, _LANES), jnp.float32),
        pltpu.VMEM((_LANES,), jnp.float32),
        pltpu.SemaphoreType.DMA,
    ],
    compiler_params=pltpu.CompilerParams(needs_layout_passes=False,
                                         use_tc_tiling_on_sc=False),
)(_sc_body)


def _finish_body(p_ref, o_ref):
    o_ref[0, 0] = jnp.sum(p_ref[...]) * jnp.float32(1.0 / (_B * _S * _LANES))


_finish = pl.pallas_call(
    _finish_body,
    out_shape=jax.ShapeDtypeStruct((1, 1), jnp.float32),
    out_specs=pl.BlockSpec(memory_space=pltpu.SMEM),
)


def _physical_view(a):
    return (a.reshape(_B, _H // 8, 8, _W // 128, 128)
             .transpose(0, 1, 3, 2, 4)
             .reshape(_B * _ROWS_PER_IMG, _LANES))


def kernel(pred, target, sampled_coords):
    pred2d = _physical_view(pred)
    tgt2d = _physical_view(target)
    u = sampled_coords[:, :, 0].reshape(_B * _S)
    v = sampled_coords[:, :, 1].reshape(_B * _S)
    partials = _sc_gather_mse(pred2d, tgt2d, u, v)
    return _finish(partials.reshape(_NW * _LANES))[0, 0]

# --- scband reference (transcript-rebuilt; emitter-appended) ---
"""Pipeline reference for scband-sampled-pixel-l2-loss-69939247448575 (READ-ONLY COPY).

The authoritative reference and input builder live on the scoring server;
editing this copy changes nothing except your own understanding.
"""

import jax, jax.numpy as jnp
import numpy as np


def setup_inputs(seed: int = 0) -> dict:
    key = jax.random.key(seed)
    k1, k2, k3 = jax.random.split(key, 3)
    pred = jax.random.normal(k1, (16, 1, 512, 512), dtype=jnp.float32)
    target = jax.random.normal(k2, (16, 1, 512, 512), dtype=jnp.float32)
    sampled_coords = jax.random.uniform(k3, (16, 4096, 2), dtype=jnp.float32)
    return {"pred": pred, "target": target, "sampled_coords": sampled_coords}


def reference(pred, target, sampled_coords):
    B, _, H, W = pred.shape
    u = sampled_coords[:, :, 0]
    v = sampled_coords[:, :, 1]
    x_indices = jnp.clip(jnp.round(u * (W - 1)).astype(jnp.int32), 0, W - 1)
    y_indices = jnp.clip(jnp.round(v * (H - 1)).astype(jnp.int32), 0, H - 1)
    flat_indices = y_indices * W + x_indices
    pred_flat = pred.reshape(B, H * W)
    target_flat = target.reshape(B, H * W)
    pred_sampled = jnp.take_along_axis(pred_flat, flat_indices, axis=1)
    target_sampled = jnp.take_along_axis(target_flat, flat_indices, axis=1)
    l2_loss = jnp.mean((pred_sampled - target_sampled) ** 2)
    return l2_loss

if __name__ == "__main__":
    import jax
    _d = setup_inputs()
    print(jax.jit(kernel)(*tuple(_d.values())))

</pallas_src>

<mosaic_0001>
#map = affine_map<(d0, d1) -> (0, 0)>
#map1 = affine_map<(d0, d1) -> (0)>
module attributes {stable_mosaic.version = 14 : i64} {
  func.func @_sc_body(%arg0: i32, %arg1: i32, %arg2: memref<262144x16xf32, #tpu.memory_space<hbm>>, %arg3: memref<262144x16xf32, #tpu.memory_space<hbm>>, %arg4: memref<65536xf32, #tpu.memory_space<hbm>>, %arg5: memref<65536xf32, #tpu.memory_space<hbm>>, %arg6: memref<32x16xf32, #tpu.memory_space<hbm>>, %arg7: memref<2048xf32, #tpu.memory_space<vmem>>, %arg8: memref<2048xf32, #tpu.memory_space<vmem>>, %arg9: memref<2048xi32, #tpu.memory_space<vmem>>, %arg10: memref<2048xi32, #tpu.memory_space<vmem>>, %arg11: memref<2048x16xf32, #tpu.memory_space<vmem>>, %arg12: memref<2048x16xf32, #tpu.memory_space<vmem>>, %arg13: memref<16xf32, #tpu.memory_space<vmem>>, %arg14: memref<!tpu.dma_semaphore, #tpu.memory_space<semaphore_mem>>) attributes {dimension_semantics = [#tpu.dimension_semantics<core_parallel>, #tpu.dimension_semantics<subcore_parallel>], iteration_bounds = array<i64: 2, 16>, scalar_prefetch = 0 : i64, scratch_operands = 8 : i64, tpu.core_type = #tpu.core_type<sc_vector_subcore>, window_params = [{transform_indices = #map}, {transform_indices = #map}, {transform_indices = #map1}, {transform_indices = #map1}, {transform_indices = #map}]} {
    %mul3A = arith.constant 2 : i32
    %mul3A_0 = arith.muli %arg1, %mul3A : i32
    %add3A = arith.addi %mul3A_0, %arg0 : i32
    %jit3A = arith.constant 2 : i32
    %div3A = arith.divsi %add3A, %jit3A : i32
    %sign3A = arith.constant 0 : i32
    %sign3A_1 = arith.cmpi sgt, %add3A, %sign3A : i32
    %sign3A_2 = arith.extui %sign3A_1 : i1 to i32
    %sign3A_3 = arith.constant 0 : i32
    %sign3A_4 = arith.cmpi slt, %add3A, %sign3A_3 : i32
    %sign3A_5 = arith.extui %sign3A_4 : i1 to i32
    %sign3A_6 = arith.subi %sign3A_2, %sign3A_5 : i32
    %sign3A_7 = arith.constant 0 : i32
    %sign3A_8 = arith.cmpi sgt, %jit3A, %sign3A_7 : i32
    %sign3A_9 = arith.extui %sign3A_8 : i1 to i32
    %sign3A_10 = arith.constant 0 : i32
    %sign3A_11 = arith.cmpi slt, %jit3A, %sign3A_10 : i32
    %sign3A_12 = arith.extui %sign3A_11 : i1 to i32
    %sign3A_13 = arith.subi %sign3A_9, %sign3A_12 : i32
    %ne3A = arith.cmpi ne, %sign3A_6, %sign3A_13 : i32
    %rem3A = arith.remsi %add3A, %jit3A : i32
    %ne3A_14 = arith.constant 0 : i32
    %ne3A_15 = arith.cmpi ne, %rem3A, %ne3A_14 : i32
    %and3A = arith.andi %ne3A, %ne3A_15 : i1
    %sub3A = arith.constant 1 : i32
    %sub3A_16 = arith.subi %div3A, %sub3A : i32
    %select_n3A = arith.select %and3A, %sub3A_16, %div3A : i32
    %mul3A_17 = arith.constant 2048 : i32
    %mul3A_18 = arith.muli %add3A, %mul3A_17 : i32
    %dma_start3A = tpu.memref_slice %arg4[%mul3A_18] : memref<65536xf32, #tpu.memory_space<hbm>> -> memref<2048xf32, #tpu.memory_space<hbm>>
    %dma_start3A_19 = tpu.memref_slice %arg4[%mul3A_18] : memref<65536xf32, #tpu.memory_space<hbm>> -> memref<2048xf32, #tpu.memory_space<hbm>>
    tpu.enqueue_dma source(%dma_start3A_19 : memref<2048xf32, #tpu.memory_space<hbm>>) target(%arg7 : memref<2048xf32, #tpu.memory_space<vmem>>) target_semaphore(%arg14 : memref<!tpu.dma_semaphore, #tpu.memory_space<semaphore_mem>>)
    %dma_start3A_20 = tpu.memref_slice %arg5[%mul3A_18] : memref<65536xf32, #tpu.memory_space<hbm>> -> memref<2048xf32, #tpu.memory_space<hbm>>
    %dma_start3A_21 = tpu.memref_slice %arg5[%mul3A_18] : memref<65536xf32, #tpu.memory_space<hbm>> -> memref<2048xf32, #tpu.memory_space<hbm>>
    tpu.enqueue_dma source(%dma_start3A_21 : memref<2048xf32, #tpu.memory_space<hbm>>) target(%arg8 : memref<2048xf32, #tpu.memory_space<vmem>>) target_semaphore(%arg14 : memref<!tpu.dma_semaphore, #tpu.memory_space<semaphore_mem>>)
    %dma_wait3A = tpu.memref_slice %arg4[%mul3A_18] : memref<65536xf32, #tpu.memory_space<hbm>> -> memref<2048xf32, #tpu.memory_space<hbm>>
    %dma_wait3A_22 = tpu.memref_slice %arg4[%mul3A_18] : memref<65536xf32, #tpu.memory_space<hbm>> -> memref<2048xf32, #tpu.memory_space<hbm>>
    tpu.wait_dma2 semaphore(%arg14 : memref<!tpu.dma_semaphore, #tpu.memory_space<semaphore_mem>>) src(%dma_wait3A_22 : memref<2048xf32, #tpu.memory_space<hbm>>) dst(%arg7 : memref<2048xf32, #tpu.memory_space<vmem>>)
    %dma_wait3A_23 = tpu.memref_slice %arg5[%mul3A_18] : memref<65536xf32, #tpu.memory_space<hbm>> -> memref<2048xf32, #tpu.memory_space<hbm>>
    %dma_wait3A_24 = tpu.memref_slice %arg5[%mul3A_18] : memref<65536xf32, #tpu.memory_space<hbm>> -> memref<2048xf32, #tpu.memory_space<hbm>>
    tpu.wait_dma2 semaphore(%arg14 : memref<!tpu.dma_semaphore, #tpu.memory_space<semaphore_mem>>) src(%dma_wait3A_24 : memref<2048xf32, #tpu.memory_space<hbm>>) dst(%arg8 : memref<2048xf32, #tpu.memory_space<vmem>>)
    %mul3A_25 = arith.constant 16384 : i32
    %mul3A_26 = arith.muli %select_n3A, %mul3A_25 : i32
    %parallel_loop3A = arith.constant 0 : i32
    %parallel_loop3A_27 = arith.constant 16 : i32
    %parallel_loop3A_28 = arith.constant 1 : i32
    scf.for %parallel_loop3A_40 = %parallel_loop3A to %parallel_loop3A_27 step %parallel_loop3A_28  : i32 {
      %parallel_loop3A_41 = arith.constant 128 : i32
      %parallel_loop3A_42 = arith.muli %parallel_loop3A_40, %parallel_loop3A_41 : i32
      %parallel_loop3A_43 = arith.constant 0 : i32
      %parallel_loop3A_44 = arith.addi %parallel_loop3A_42, %parallel_loop3A_43 : i32
      %parallel_loop3A_45 = arith.index_cast %parallel_loop3A_44 : i32 to index
      %parallel_loop3A_46 = tpu.vector_load %arg7[%parallel_loop3A_45] {strides = array<i32>} : memref<2048xf32, #tpu.memory_space<vmem>>, vector<16xf32>,
      %parallel_loop3A_47 = arith.index_cast %parallel_loop3A_44 : i32 to index
      %parallel_loop3A_48 = tpu.vector_load %arg8[%parallel_loop3A_47] {strides = array<i32>} : memref<2048xf32, #tpu.memory_space<vmem>>, vector<16xf32>,
      %parallel_loop3A_49 = arith.constant 5.110000e+02 : f32
      %parallel_loop3A_50 = vector.broadcast %parallel_loop3A_49 : f32 to vector<16xf32>
      %parallel_loop3A_51 = arith.mulf %parallel_loop3A_46, %parallel_loop3A_50 : vector<16xf32>
      %parallel_loop3A_52 = arith.constant 5.000000e-01 : f32
      %parallel_loop3A_53 = vector.broadcast %parallel_loop3A_52 : f32 to vector<16xf32>
      %parallel_loop3A_54 = arith.addf %parallel_loop3A_51, %parallel_loop3A_53 : vector<16xf32>
      %parallel_loop3A_55 = arith.fptosi %parallel_loop3A_54 : vector<16xf32> to vector<16xi32>
      %parallel_loop3A_56 = arith.sitofp %parallel_loop3A_55 : vector<16xi32> to vector<16xf32>
      %parallel_loop3A_57 = arith.cmpf oeq, %parallel_loop3A_56, %parallel_loop3A_54 : vector<16xf32>
      %parallel_loop3A_58 = arith.constant 1 : i32
      %parallel_loop3A_59 = vector.broadcast %parallel_loop3A_58 : i32 to vector<16xi32>
      %parallel_loop3A_60 = arith.andi %parallel_loop3A_55, %parallel_loop3A_59 : vector<16xi32>
      %parallel_loop3A_61 = arith.constant 1 : i32
      %parallel_loop3A_62 = vector.broadcast %parallel_loop3A_61 : i32 to vector<16xi32>
      %parallel_loop3A_63 = arith.cmpi eq, %parallel_loop3A_60, %parallel_loop3A_62 : vector<16xi32>
      %parallel_loop3A_64 = arith.andi %parallel_loop3A_57, %parallel_loop3A_63 : vector<16xi1>
      %parallel_loop3A_65 = arith.constant 1 : i32
      %parallel_loop3A_66 = arith.constant 0 : i32
      %parallel_loop3A_67 = vector.broadcast %parallel_loop3A_65 : i32 to vector<16xi32>
      %parallel_loop3A_68 = vector.broadcast %parallel_loop3A_66 : i32 to vector<16xi32>
      %parallel_loop3A_69 = arith.select %parallel_loop3A_64, %parallel_loop3A_67, %parallel_loop3A_68 : vector<16xi1>, vector<16xi32>
      %parallel_loop3A_70 = arith.subi %parallel_loop3A_55, %parallel_loop3A_69 : vector<16xi32>
      %parallel_loop3A_71 = arith.constant 5.110000e+02 : f32
      %parallel_loop3A_72 = vector.broadcast %parallel_loop3A_71 : f32 to vector<16xf32>
      %parallel_loop3A_73 = arith.mulf %parallel_loop3A_48, %parallel_loop3A_72 : vector<16xf32>
      %parallel_loop3A_74 = arith.constant 5.000000e-01 : f32
      %parallel_loop3A_75 = vector.broadcast %parallel_loop3A_74 : f32 to vector<16xf32>
      %parallel_loop3A_76 = arith.addf %parallel_loop3A_73, %parallel_loop3A_75 : vector<16xf32>
      %parallel_loop3A_77 = arith.fptosi %parallel_loop3A_76 : vector<16xf32> to vector<16xi32>
      %parallel_loop3A_78 = arith.sitofp %parallel_loop3A_77 : vector<16xi32> to vector<16xf32>
      %parallel_loop3A_79 = arith.cmpf oeq, %parallel_loop3A_78, %parallel_loop3A_76 : vector<16xf32>
      %parallel_loop3A_80 = arith.constant 1 : i32
      %parallel_loop3A_81 = vector.broadcast %parallel_loop3A_80 : i32 to vector<16xi32>
      %parallel_loop3A_82 = arith.andi %parallel_loop3A_77, %parallel_loop3A_81 : vector<16xi32>
      %parallel_loop3A_83 = arith.constant 1 : i32
      %parallel_loop3A_84 = vector.broadcast %parallel_loop3A_83 : i32 to vector<16xi32>
      %parallel_loop3A_85 = arith.cmpi eq, %parallel_loop3A_82, %parallel_loop3A_84 : vector<16xi32>
      %parallel_loop3A_86 = arith.andi %parallel_loop3A_79, %parallel_loop3A_85 : vector<16xi1>
      %parallel_loop3A_87 = arith.constant 1 : i32
      %parallel_loop3A_88 = arith.constant 0 : i32
      %parallel_loop3A_89 = vector.broadcast %parallel_loop3A_87 : i32 to vector<16xi32>
      %parallel_loop3A_90 = vector.broadcast %parallel_loop3A_88 : i32 to vector<16xi32>
      %parallel_loop3A_91 = arith.select %parallel_loop3A_86, %parallel_loop3A_89, %parallel_loop3A_90 : vector<16xi1>, vector<16xi32>
      %parallel_loop3A_92 = arith.subi %parallel_loop3A_77, %parallel_loop3A_91 : vector<16xi32>
      %parallel_loop3A_93 = arith.constant 3 : i32
      %parallel_loop3A_94 = vector.broadcast %parallel_loop3A_93 : i32 to vector<16xi32>
      %parallel_loop3A_95 = arith.shrsi %parallel_loop3A_92, %parallel_loop3A_94 : vector<16xi32>
      %parallel_loop3A_96 = arith.constant 4 : i32
      %parallel_loop3A_97 = vector.broadcast %parallel_loop3A_96 : i32 to vector<16xi32>
      %parallel_loop3A_98 = arith.muli %parallel_loop3A_95, %parallel_loop3A_97 : vector<16xi32>
      %parallel_loop3A_99 = arith.constant 7 : i32
      %parallel_loop3A_100 = vector.broadcast %parallel_loop3A_99 : i32 to vector<16xi32>
      %parallel_loop3A_101 = arith.shrsi %parallel_loop3A_70, %parallel_loop3A_100 : vector<16xi32>
      %parallel_loop3A_102 = arith.addi %parallel_loop3A_98, %parallel_loop3A_101 : vector<16xi32>
      %parallel_loop3A_103 = arith.constant 1024 : i32
      %parallel_loop3A_104 = vector.broadcast %parallel_loop3A_103 : i32 to vector<16xi32>
      %parallel_loop3A_105 = arith.muli %parallel_loop3A_102, %parallel_loop3A_104 : vector<16xi32>
      %parallel_loop3A_106 = arith.constant 7 : i32
      %parallel_loop3A_107 = vector.broadcast %parallel_loop3A_106 : i32 to vector<16xi32>
      %parallel_loop3A_108 = arith.andi %parallel_loop3A_92, %parallel_loop3A_107 : vector<16xi32>
      %parallel_loop3A_109 = arith.constant 128 : i32
      %parallel_loop3A_110 = vector.broadcast %parallel_loop3A_109 : i32 to vector<16xi32>
      %parallel_loop3A_111 = arith.muli %parallel_loop3A_108, %parallel_loop3A_110 : vector<16xi32>
      %parallel_loop3A_112 = arith.addi %parallel_loop3A_105, %parallel_loop3A_111 : vector<16xi32>
      %parallel_loop3A_113 = arith.constant 127 : i32
      %parallel_loop3A_114 = vector.broadcast %parallel_loop3A_113 : i32 to vector<16xi32>
      %parallel_loop3A_115 = arith.andi %parallel_loop3A_70, %parallel_loop3A_114 : vector<16xi32>
      %parallel_loop3A_116 = arith.addi %parallel_loop3A_112, %parallel_loop3A_115 : vector<16xi32>
      %parallel_loop3A_117 = arith.constant 4 : i32
      %parallel_loop3A_118 = vector.broadcast %parallel_loop3A_117 : i32 to vector<16xi32>
      %parallel_loop3A_119 = arith.shrsi %parallel_loop3A_116, %parallel_loop3A_118 : vector<16xi32>
      %parallel_loop3A_120 = vector.broadcast %mul3A_26 : i32 to vector<16xi32>
      %parallel_loop3A_121 = arith.addi %parallel_loop3A_120, %parallel_loop3A_119 : vector<16xi32>
      %parallel_loop3A_122 = arith.index_cast %parallel_loop3A_44 : i32 to index
      %parallel_loop3A_123 = tpu.vector_load %arg9[%parallel_loop3A_122] {strides = array<i32>} : memref<2048xi32, #tpu.memory_space<vmem>>, vector<16xi32>,
      tpu.vector_store %arg9[%parallel_loop3A_122], %parallel_loop3A_121 {strides = array<i32>} : memref<2048xi32, #tpu.memory_space<vmem>>, vector<16xi32>,
      %parallel_loop3A_124 = arith.constant 15 : i32
      %parallel_loop3A_125 = vector.broadcast %parallel_loop3A_124 : i32 to vector<16xi32>
      %parallel_loop3A_126 = arith.andi %parallel_loop3A_116, %parallel_loop3A_125 : vector<16xi32>
      %parallel_loop3A_127 = arith.index_cast %parallel_loop3A_44 : i32 to index
      %parallel_loop3A_128 = tpu.vector_load %arg10[%parallel_loop3A_127] {strides = array<i32>} : memref<2048xi32, #tpu.memory_space<vmem>>, vector<16xi32>,
      tpu.vector_store %arg10[%parallel_loop3A_127], %parallel_loop3A_126 {strides = array<i32>} : memref<2048xi32, #tpu.memory_space<vmem>>, vector<16xi32>,
      %parallel_loop3A_129 = arith.constant 128 : i32
      %parallel_loop3A_130 = arith.muli %parallel_loop3A_40, %parallel_loop3A_129 : i32
      %parallel_loop3A_131 = arith.constant 16 : i32
      %parallel_loop3A_132 = arith.addi %parallel_loop3A_130, %parallel_loop3A_131 : i32
      %parallel_loop3A_133 = arith.index_cast %parallel_loop3A_132 : i32 to index
      %parallel_loop3A_134 = tpu.vector_load %arg7[%parallel_loop3A_133] {strides = array<i32>} : memref<2048xf32, #tpu.memory_space<vmem>>, vector<16xf32>,
      %parallel_loop3A_135 = arith.index_cast %parallel_loop3A_132 : i32 to index
      %parallel_loop3A_136 = tpu.vector_load %arg8[%parallel_loop3A_135] {strides = array<i32>} : memref<2048xf32, #tpu.memory_space<vmem>>, vector<16xf32>,
      %parallel_loop3A_137 = arith.constant 5.110000e+02 : f32
      %parallel_loop3A_138 = vector.broadcast %parallel_loop3A_137 : f32 to vector<16xf32>
      %parallel_loop3A_139 = arith.mulf %parallel_loop3A_134, %parallel_loop3A_138 : vector<16xf32>
      %parallel_loop3A_140 = arith.constant 5.000000e-01 : f32
      %parallel_loop3A_141 = vector.broadcast %parallel_loop3A_140 : f32 to vector<16xf32>
      %parallel_loop3A_142 = arith.addf %parallel_loop3A_139, %parallel_loop3A_141 : vector<16xf32>
      %parallel_loop3A_143 = arith.fptosi %parallel_loop3A_142 : vector<16xf32> to vector<16xi32>
      %parallel_loop3A_144 = arith.sitofp %parallel_loop3A_143 : vector<16xi32> to vector<16xf32>
      %parallel_loop3A_145 = arith.cmpf oeq, %parallel_loop3A_144, %parallel_loop3A_142 : vector<16xf32>
      %parallel_loop3A_146 = arith.constant 1 : i32
      %parallel_loop3A_147 = vector.broadcast %parallel_loop3A_146 : i32 to vector<16xi32>
      %parallel_loop3A_148 = arith.andi %parallel_loop3A_143, %parallel_loop3A_147 : vector<16xi32>
      %parallel_loop3A_149 = arith.constant 1 : i32
      %parallel_loop3A_150 = vector.broadcast %parallel_loop3A_149 : i32 to vector<16xi32>
      %parallel_loop3A_151 = arith.cmpi eq, %parallel_loop3A_148, %parallel_loop3A_150 : vector<16xi32>
      %parallel_loop3A_152 = arith.andi %parallel_loop3A_145, %parallel_loop3A_151 : vector<16xi1>
      %parallel_loop3A_153 = arith.constant 1 : i32
      %parallel_loop3A_154 = arith.constant 0 : i32
      %parallel_loop3A_155 = vector.broadcast %parallel_loop3A_153 : i32 to vector<16xi32>
      %parallel_loop3A_156 = vector.broadcast %parallel_loop3A_154 : i32 to vector<16xi32>
      %parallel_loop3A_157 = arith.select %parallel_loop3A_152, %parallel_loop3A_155, %parallel_loop3A_156 : vector<16xi1>, vector<16xi32>
      %parallel_loop3A_158 = arith.subi %parallel_loop3A_143, %parallel_loop3A_157 : vector<16xi32>
      %parallel_loop3A_159 = arith.constant 5.110000e+02 : f32
      %parallel_loop3A_160 = vector.broadcast %parallel_loop3A_159 : f32 to vector<16xf32>
      %parallel_loop3A_161 = arith.mulf %parallel_loop3A_136, %parallel_loop3A_160 : vector<16xf32>
      %parallel_loop3A_162 = arith.constant 5.000000e-01 : f32
      %parallel_loop3A_163 = vector.broadcast %parallel_loop3A_162 : f32 to vector<16xf32>
      %parallel_loop3A_164 = arith.addf %parallel_loop3A_161, %parallel_loop3A_163 : vector<16xf32>
      %parallel_loop3A_165 = arith.fptosi %parallel_loop3A_164 : vector<16xf32> to vector<16xi32>
      %parallel_loop3A_166 = arith.sitofp %parallel_loop3A_165 : vector<16xi32> to vector<16xf32>
      %parallel_loop3A_167 = arith.cmpf oeq, %parallel_loop3A_166, %parallel_loop3A_164 : vector<16xf32>
      %parallel_loop3A_168 = arith.constant 1 : i32
      %parallel_loop3A_169 = vector.broadcast %parallel_loop3A_168 : i32 to vector<16xi32>
      %parallel_loop3A_170 = arith.andi %parallel_loop3A_165, %parallel_loop3A_169 : vector<16xi32>
      %parallel_loop3A_171 = arith.constant 1 : i32
      %parallel_loop3A_172 = vector.broadcast %parallel_loop3A_171 : i32 to vector<16xi32>
      %parallel_loop3A_173 = arith.cmpi eq, %parallel_loop3A_170, %parallel_loop3A_172 : vector<16xi32>
      %parallel_loop3A_174 = arith.andi %parallel_loop3A_167, %parallel_loop3A_173 : vector<16xi1>
      %parallel_loop3A_175 = arith.constant 1 : i32
      %parallel_loop3A_176 = arith.constant 0 : i32
      %parallel_loop3A_177 = vector.broadcast %parallel_loop3A_175 : i32 to vector<16xi32>
      %parallel_loop3A_178 = vector.broadcast %parallel_loop3A_176 : i32 to vector<16xi32>
      %parallel_loop3A_179 = arith.select %parallel_loop3A_174, %parallel_loop3A_177, %parallel_loop3A_178 : vector<16xi1>, vector<16xi32>
      %parallel_loop3A_180 = arith.subi %parallel_loop3A_165, %parallel_loop3A_179 : vector<16xi32>
      %parallel_loop3A_181 = arith.constant 3 : i32
      %parallel_loop3A_182 = vector.broadcast %parallel_loop3A_181 : i32 to vector<16xi32>
      %parallel_loop3A_183 = arith.shrsi %parallel_loop3A_180, %parallel_loop3A_182 : vector<16xi32>
      %parallel_loop3A_184 = arith.constant 4 : i32
      %parallel_loop3A_185 = vector.broadcast %parallel_loop3A_184 : i32 to vector<16xi32>
      %parallel_loop3A_186 = arith.muli %parallel_loop3A_183, %parallel_loop3A_185 : vector<16xi32>
      %parallel_loop3A_187 = arith.constant 7 : i32
      %parallel_loop3A_188 = vector.broadcast %parallel_loop3A_187 : i32 to vector<16xi32>
      %parallel_loop3A_189 = arith.shrsi %parallel_loop3A_158, %parallel_loop3A_188 : vector<16xi32>
      %parallel_loop3A_190 = arith.addi %parallel_loop3A_186, %parallel_loop3A_189 : vector<16xi32>
      %parallel_loop3A_191 = arith.constant 1024 : i32
      %parallel_loop3A_192 = vector.broadcast %parallel_loop3A_191 : i32 to vector<16xi32>
      %parallel_loop3A_193 = arith.muli %parallel_loop3A_190, %parallel_loop3A_192 : vector<16xi32>
      %parallel_loop3A_194 = arith.constant 7 : i32
      %parallel_loop3A_195 = vector.broadcast %parallel_loop3A_194 : i32 to vector<16xi32>
      %parallel_loop3A_196 = arith.andi %parallel_loop3A_180, %parallel_loop3A_195 : vector<16xi32>
      %parallel_loop3A_197 = arith.constant 128 : i32
      %parallel_loop3A_198 = vector.broadcast %parallel_loop3A_197 : i32 to vector<16xi32>
      %parallel_loop3A_199 = arith.muli %parallel_loop3A_196, %parallel_loop3A_198 : vector<16xi32>
      %parallel_loop3A_200 = arith.addi %parallel_loop3A_193, %parallel_loop3A_199 : vector<16xi32>
      %parallel_loop3A_201 = arith.constant 127 : i32
      %parallel_loop3A_202 = vector.broadcast %parallel_loop3A_201 : i32 to vector<16xi32>
      %parallel_loop3A_203 = arith.andi %parallel_loop3A_158, %parallel_loop3A_202 : vector<16xi32>
      %parallel_loop3A_204 = arith.addi %parallel_loop3A_200, %parallel_loop3A_203 : vector<16xi32>
      %parallel_loop3A_205 = arith.constant 4 : i32
      %parallel_loop3A_206 = vector.broadcast %parallel_loop3A_205 : i32 to vector<16xi32>
      %parallel_loop3A_207 = arith.shrsi %parallel_loop3A_204, %parallel_loop3A_206 : vector<16xi32>
      %parallel_loop3A_208 = vector.broadcast %mul3A_26 : i32 to vector<16xi32>
      %parallel_loop3A_209 = arith.addi %parallel_loop3A_208, %parallel_loop3A_207 : vector<16xi32>
      %parallel_loop3A_210 = arith.index_cast %parallel_loop3A_132 : i32 to index
      %parallel_loop3A_211 = tpu.vector_load %arg9[%parallel_loop3A_210] {strides = array<i32>} : memref<2048xi32, #tpu.memory_space<vmem>>, vector<16xi32>,
      tpu.vector_store %arg9[%parallel_loop3A_210], %parallel_loop3A_209 {strides = array<i32>} : memref<2048xi32, #tpu.memory_space<vmem>>, vector<16xi32>,
      %parallel_loop3A_212 = arith.constant 15 : i32
      %parallel_loop3A_213 = vector.broadcast %parallel_loop3A_212 : i32 to vector<16xi32>
      %parallel_loop3A_214 = arith.andi %parallel_loop3A_204, %parallel_loop3A_213 : vector<16xi32>
      %parallel_loop3A_215 = arith.index_cast %parallel_loop3A_132 : i32 to index
      %parallel_loop3A_216 = tpu.vector_load %arg10[%parallel_loop3A_215] {strides = array<i32>} : memref<2048xi32, #tpu.memory_space<vmem>>, vector<16xi32>,
      tpu.vector_store %arg10[%parallel_loop3A_215], %parallel_loop3A_214 {strides = array<i32>} : memref<2048xi32, #tpu.memory_space<vmem>>, vector<16xi32>,
      %parallel_loop3A_217 = arith.constant 128 : i32
      %parallel_loop3A_218 = arith.muli %parallel_loop3A_40, %parallel_loop3A_217 : i32
      %parallel_loop3A_219 = arith.constant 32 : i32
      %parallel_loop3A_220 = arith.addi %parallel_loop3A_218, %parallel_loop3A_219 : i32
      %parallel_loop3A_221 = arith.index_cast %parallel_loop3A_220 : i32 to index
      %parallel_loop3A_222 = tpu.vector_load %arg7[%parallel_loop3A_221] {strides = array<i32>} : memref<2048xf32, #tpu.memory_space<vmem>>, vector<16xf32>,
      %parallel_loop3A_223 = arith.index_cast %parallel_loop3A_220 : i32 to index
      %parallel_loop3A_224 = tpu.vector_load %arg8[%parallel_loop3A_223] {strides = array<i32>} : memref<2048xf32, #tpu.memory_space<vmem>>, vector<16xf32>,
      %parallel_loop3A_225 = arith.constant 5.110000e+02 : f32
      %parallel_loop3A_226 = vector.broadcast %parallel_loop3A_225 : f32 to vector<16xf32>
      %parallel_loop3A_227 = arith.mulf %parallel_loop3A_222, %parallel_loop3A_226 : vector<16xf32>
      %parallel_loop3A_228 = arith.constant 5.000000e-01 : f32
      %parallel_loop3A_229 = vector.broadcast %parallel_loop3A_228 : f32 to vector<16xf32>
      %parallel_loop3A_230 = arith.addf %parallel_loop3A_227, %parallel_loop3A_229 : vector<16xf32>
      %parallel_loop3A_231 = arith.fptosi %parallel_loop3A_230 : vector<16xf32> to vector<16xi32>
      %parallel_loop3A_232 = arith.sitofp %parallel_loop3A_231 : vector<16xi32> to vector<16xf32>
      %parallel_loop3A_233 = arith.cmpf oeq, %parallel_loop3A_232, %parallel_loop3A_230 : vector<16xf32>
      %parallel_loop3A_234 = arith.constant 1 : i32
      %parallel_loop3A_235 = vector.broadcast %parallel_loop3A_234 : i32 to vector<16xi32>
      %parallel_loop3A_236 = arith.andi %parallel_loop3A_231, %parallel_loop3A_235 : vector<16xi32>
      %parallel_loop3A_237 = arith.constant 1 : i32
      %parallel_loop3A_238 = vector.broadcast %parallel_loop3A_237 : i32 to vector<16xi32>
      %parallel_loop3A_239 = arith.cmpi eq, %parallel_loop3A_236, %parallel_loop3A_238 : vector<16xi32>
      %parallel_loop3A_240 = arith.andi %parallel_loop3A_233, %parallel_loop3A_239 : vector<16xi1>
      %parallel_loop3A_241 = arith.constant 1 : i32
      %parallel_loop3A_242 = arith.constant 0 : i32
      %parallel_loop3A_243 = vector.broadcast %parallel_loop3A_241 : i32 to vector<16xi32>
      %parallel_loop3A_244 = vector.broadcast %parallel_loop3A_242 : i32 to vector<16xi32>
      %parallel_loop3A_245 = arith.select %parallel_loop3A_240, %parallel_loop3A_243, %parallel_loop3A_244 : vector<16xi1>, vector<16xi32>
      %parallel_loop3A_246 = arith.subi %parallel_loop3A_231, %parallel_loop3A_245 : vector<16xi32>
      %parallel_loop3A_247 = arith.constant 5.110000e+02 : f32
      %parallel_loop3A_248 = vector.broadcast %parallel_loop3A_247 : f32 to vector<16xf32>
      %parallel_loop3A_249 = arith.mulf %parallel_loop3A_224, %parallel_loop3A_248 : vector<16xf32>
      %parallel_loop3A_250 = arith.constant 5.000000e-01 : f32
      %parallel_loop3A_251 = vector.broadcast %parallel_loop3A_250 : f32 to vector<16xf32>
      %parallel_loop3A_252 = arith.addf %parallel_loop3A_249, %parallel_loop3A_251 : vector<16xf32>
      %parallel_loop3A_253 = arith.fptosi %parallel_loop3A_252 : vector<16xf32> to vector<16xi32>
      %parallel_loop3A_254 = arith.sitofp %parallel_loop3A_253 : vector<16xi32> to vector<16xf32>
      %parallel_loop3A_255 = arith.cmpf oeq, %parallel_loop3A_254, %parallel_loop3A_252 : vector<16xf32>
      %parallel_loop3A_256 = arith.constant 1 : i32
      %parallel_loop3A_257 = vector.broadcast %parallel_loop3A_256 : i32 to vector<16xi32>
      %parallel_loop3A_258 = arith.andi %parallel_loop3A_253, %parallel_loop3A_257 : vector<16xi32>
      %parallel_loop3A_259 = arith.constant 1 : i32
      %parallel_loop3A_260 = vector.broadcast %parallel_loop3A_259 : i32 to vector<16xi32>
      %parallel_loop3A_261 = arith.cmpi eq, %parallel_loop3A_258, %parallel_loop3A_260 : vector<16xi32>
      %parallel_loop3A_262 = arith.andi %parallel_loop3A_255, %parallel_loop3A_261 : vector<16xi1>
      %parallel_loop3A_263 = arith.constant 1 : i32
      %parallel_loop3A_264 = arith.constant 0 : i32
      %parallel_loop3A_265 = vector.broadcast %parallel_loop3A_263 : i32 to vector<16xi32>
      %parallel_loop3A_266 = vector.broadcast %parallel_loop3A_264 : i32 to vector<16xi32>
      %parallel_loop3A_267 = arith.select %parallel_loop3A_262, %parallel_loop3A_265, %parallel_loop3A_266 : vector<16xi1>, vector<16xi32>
      %parallel_loop3A_268 = arith.subi %parallel_loop3A_253, %parallel_loop3A_267 : vector<16xi32>
      %parallel_loop3A_269 = arith.constant 3 : i32
      %parallel_loop3A_270 = vector.broadcast %parallel_loop3A_269 : i32 to vector<16xi32>
      %parallel_loop3A_271 = arith.shrsi %parallel_loop3A_268, %parallel_loop3A_270 : vector<16xi32>
      %parallel_loop3A_272 = arith.constant 4 : i32
      %parallel_loop3A_273 = vector.broadcast %parallel_loop3A_272 : i32 to vector<16xi32>
      %parallel_loop3A_274 = arith.muli %parallel_loop3A_271, %parallel_loop3A_273 : vector<16xi32>
      %parallel_loop3A_275 = arith.constant 7 : i32
      %parallel_loop3A_276 = vector.broadcast %parallel_loop3A_275 : i32 to vector<16xi32>
      %parallel_loop3A_277 = arith.shrsi %parallel_loop3A_246, %parallel_loop3A_276 : vector<16xi32>
      %parallel_loop3A_278 = arith.addi %parallel_loop3A_274, %parallel_loop3A_277 : vector<16xi32>
      %parallel_loop3A_279 = arith.constant 1024 : i32
      %parallel_loop3A_280 = vector.broadcast %parallel_loop3A_279 : i32 to vector<16xi32>
      %parallel_loop3A_281 = arith.muli %parallel_loop3A_278, %parallel_loop3A_280 : vector<16xi32>
      %parallel_loop3A_282 = arith.constant 7 : i32
      %parallel_loop3A_283 = vector.broadcast %parallel_loop3A_282 : i32 to vector<16xi32>
      %parallel_loop3A_284 = arith.andi %parallel_loop3A_268, %parallel_loop3A_283 : vector<16xi32>
      %parallel_loop3A_285 = arith.constant 128 : i32
      %parallel_loop3A_286 = vector.broadcast %parallel_loop3A_285 : i32 to vector<16xi32>
      %parallel_loop3A_287 = arith.muli %parallel_loop3A_284, %parallel_loop3A_286 : vector<16xi32>
      %parallel_loop3A_288 = arith.addi %parallel_loop3A_281, %parallel_loop3A_287 : vector<16xi32>
      %parallel_loop3A_289 = arith.constant 127 : i32
      %parallel_loop3A_290 = vector.broadcast %parallel_loop3A_289 : i32 to vector<16xi32>
      %parallel_loop3A_291 = arith.andi %parallel_loop3A_246, %parallel_loop3A_290 : vector<16xi32>
      %parallel_loop3A_292 = arith.addi %parallel_loop3A_288, %parallel_loop3A_291 : vector<16xi32>
      %parallel_loop3A_293 = arith.constant 4 : i32
      %parallel_loop3A_294 = vector.broadcast %parallel_loop3A_293 : i32 to vector<16xi32>
      %parallel_loop3A_295 = arith.shrsi %parallel_loop3A_292, %parallel_loop3A_294 : vector<16xi32>
      %parallel_loop3A_296 = vector.broadcast %mul3A_26 : i32 to vector<16xi32>
      %parallel_loop3A_297 = arith.addi %parallel_loop3A_296, %parallel_loop3A_295 : vector<16xi32>
      %parallel_loop3A_298 = arith.index_cast %parallel_loop3A_220 : i32 to index
      %parallel_loop3A_299 = tpu.vector_load %arg9[%parallel_loop3A_298] {strides = array<i32>} : memref<2048xi32, #tpu.memory_space<vmem>>, vector<16xi32>,
      tpu.vector_store %arg9[%parallel_loop3A_298], %parallel_loop3A_297 {strides = array<i32>} : memref<2048xi32, #tpu.memory_space<vmem>>, vector<16xi32>,
      %parallel_loop3A_300 = arith.constant 15 : i32
      %parallel_loop3A_301 = vector.broadcast %parallel_loop3A_300 : i32 to vector<16xi32>
      %parallel_loop3A_302 = arith.andi %parallel_loop3A_292, %parallel_loop3A_301 : vector<16xi32>
      %parallel_loop3A_303 = arith.index_cast %parallel_loop3A_220 : i32 to index
      %parallel_loop3A_304 = tpu.vector_load %arg10[%parallel_loop3A_303] {strides = array<i32>} : memref<2048xi32, #tpu.memory_space<vmem>>, vector<16xi32>,
      tpu.vector_store %arg10[%parallel_loop3A_303], %parallel_loop3A_302 {strides = array<i32>} : memref<2048xi32, #tpu.memory_space<vmem>>, vector<16xi32>,
      %parallel_loop3A_305 = arith.constant 128 : i32
      %parallel_loop3A_306 = arith.muli %parallel_loop3A_40, %parallel_loop3A_305 : i32
      %parallel_loop3A_307 = arith.constant 48 : i32
      %parallel_loop3A_308 = arith.addi %parallel_loop3A_306, %parallel_loop3A_307 : i32
      %parallel_loop3A_309 = arith.index_cast %parallel_loop3A_308 : i32 to index
      %parallel_loop3A_310 = tpu.vector_load %arg7[%parallel_loop3A_309] {strides = array<i32>} : memref<2048xf32, #tpu.memory_space<vmem>>, vector<16xf32>,
      %parallel_loop3A_311 = arith.index_cast %parallel_loop3A_308 : i32 to index
      %parallel_loop3A_312 = tpu.vector_load %arg8[%parallel_loop3A_311] {strides = array<i32>} : memref<2048xf32, #tpu.memory_space<vmem>>, vector<16xf32>,
      %parallel_loop3A_313 = arith.constant 5.110000e+02 : f32
      %parallel_loop3A_314 = vector.broadcast %parallel_loop3A_313 : f32 to vector<16xf32>
      %parallel_loop3A_315 = arith.mulf %parallel_loop3A_310, %parallel_loop3A_314 : vector<16xf32>
      %parallel_loop3A_316 = arith.constant 5.000000e-01 : f32
      %parallel_loop3A_317 = vector.broadcast %parallel_loop3A_316 : f32 to vector<16xf32>
      %parallel_loop3A_318 = arith.addf %parallel_loop3A_315, %parallel_loop3A_317 : vector<16xf32>
      %parallel_loop3A_319 = arith.fptosi %parallel_loop3A_318 : vector<16xf32> to vector<16xi32>
      %parallel_loop3A_320 = arith.sitofp %parallel_loop3A_319 : vector<16xi32> to vector<16xf32>
      %parallel_loop3A_321 = arith.cmpf oeq, %parallel_loop3A_320, %parallel_loop3A_318 : vector<16xf32>
      %parallel_loop3A_322 = arith.constant 1 : i32
      %parallel_loop3A_323 = vector.broadcast %parallel_loop3A_322 : i32 to vector<16xi32>
      %parallel_loop3A_324 = arith.andi %parallel_loop3A_319, %parallel_loop3A_323 : vector<16xi32>
      %parallel_loop3A_325 = arith.constant 1 : i32
      %parallel_loop3A_326 = vector.broadcast %parallel_loop3A_325 : i32 to vector<16xi32>
      %parallel_loop3A_327 = arith.cmpi eq, %parallel_loop3A_324, %parallel_loop3A_326 : vector<16xi32>
      %parallel_loop3A_328 = arith.andi %parallel_loop3A_321, %parallel_loop3A_327 : vector<16xi1>
      %parallel_loop3A_329 = arith.constant 1 : i32
      %parallel_loop3A_330 = arith.constant 0 : i32
      %parallel_loop3A_331 = vector.broadcast %parallel_loop3A_329 : i32 to vector<16xi32>
      %parallel_loop3A_332 = vector.broadcast %parallel_loop3A_330 : i32 to vector<16xi32>
      %parallel_loop3A_333 = arith.select %parallel_loop3A_328, %parallel_loop3A_331, %parallel_loop3A_332 : vector<16xi1>, vector<16xi32>
      %parallel_loop3A_334 = arith.subi %parallel_loop3A_319, %parallel_loop3A_333 : vector<16xi32>
      %parallel_loop3A_335 = arith.constant 5.110000e+02 : f32
      %parallel_loop3A_336 = vector.broadcast %parallel_loop3A_335 : f32 to vector<16xf32>
      %parallel_loop3A_337 = arith.mulf %parallel_loop3A_312, %parallel_loop3A_336 : vector<16xf32>
      %parallel_loop3A_338 = arith.constant 5.000000e-01 : f32
      %parallel_loop3A_339 = vector.broadcast %parallel_loop3A_338 : f32 to vector<16xf32>
      %parallel_loop3A_340 = arith.addf %parallel_loop3A_337, %parallel_loop3A_339 : vector<16xf32>
      %parallel_loop3A_341 = arith.fptosi %parallel_loop3A_340 : vector<16xf32> to vector<16xi32>
      %parallel_loop3A_342 = arith.sitofp %parallel_loop3A_341 : vector<16xi32> to vector<16xf32>
      %parallel_loop3A_343 = arith.cmpf oeq, %parallel_loop3A_342, %parallel_loop3A_340 : vector<16xf32>
      %parallel_loop3A_344 = arith.constant 1 : i32
      %parallel_loop3A_345 = vector.broadcast %parallel_loop3A_344 : i32 to vector<16xi32>
      %parallel_loop3A_346 = arith.andi %parallel_loop3A_341, %parallel_loop3A_345 : vector<16xi32>
      %parallel_loop3A_347 = arith.constant 1 : i32
      %parallel_loop3A_348 = vector.broadcast %parallel_loop3A_347 : i32 to vector<16xi32>
      %parallel_loop3A_349 = arith.cmpi eq, %parallel_loop3A_346, %parallel_loop3A_348 : vector<16xi32>
      %parallel_loop3A_350 = arith.andi %parallel_loop3A_343, %parallel_loop3A_349 : vector<16xi1>
      %parallel_loop3A_351 = arith.constant 1 : i32
      %parallel_loop3A_352 = arith.constant 0 : i32
      %parallel_loop3A_353 = vector.broadcast %parallel_loop3A_351 : i32 to vector<16xi32>
      %parallel_loop3A_354 = vector.broadcast %parallel_loop3A_352 : i32 to vector<16xi32>
      %parallel_loop3A_355 = arith.select %parallel_loop3A_350, %parallel_loop3A_353, %parallel_loop3A_354 : vector<16xi1>, vector<16xi32>
      %parallel_loop3A_356 = arith.subi %parallel_loop3A_341, %parallel_loop3A_355 : vector<16xi32>
      %parallel_loop3A_357 = arith.constant 3 : i32
      %parallel_loop3A_358 = vector.broadcast %parallel_loop3A_357 : i32 to vector<16xi32>
      %parallel_loop3A_359 = arith.shrsi %parallel_loop3A_356, %parallel_loop3A_358 : vector<16xi32>
      %parallel_loop3A_360 = arith.constant 4 : i32
      %parallel_loop3A_361 = vector.broadcast %parallel_loop3A_360 : i32 to vector<16xi32>
      %parallel_loop3A_362 = arith.muli %parallel_loop3A_359, %parallel_loop3A_361 : vector<16xi32>
      %parallel_loop3A_363 = arith.constant 7 : i32
      %parallel_loop3A_364 = vector.broadcast %parallel_loop3A_363 : i32 to vector<16xi32>
      %parallel_loop3A_365 = arith.shrsi %parallel_loop3A_334, %parallel_loop3A_364 : vector<16xi32>
      %parallel_loop3A_366 = arith.addi %parallel_loop3A_362, %parallel_loop3A_365 : vector<16xi32>
      %parallel_loop3A_367 = arith.constant 1024 : i32
      %parallel_loop3A_368 = vector.broadcast %parallel_loop3A_367 : i32 to vector<16xi32>
      %parallel_loop3A_369 = arith.muli %parallel_loop3A_366, %parallel_loop3A_368 : vector<16xi32>
      %parallel_loop3A_370 = arith.constant 7 : i32
      %parallel_loop3A_371 = vector.broadcast %parallel_loop3A_370 : i32 to vector<16xi32>
      %parallel_loop3A_372 = arith.andi %parallel_loop3A_356, %parallel_loop3A_371 : vector<16xi32>
      %parallel_loop3A_373 = arith.constant 128 : i32
      %parallel_loop3A_374 = vector.broadcast %parallel_loop3A_373 : i32 to vector<16xi32>
      %parallel_loop3A_375 = arith.muli %parallel_loop3A_372, %parallel_loop3A_374 : vector<16xi32>
      %parallel_loop3A_376 = arith.addi %parallel_loop3A_369, %parallel_loop3A_375 : vector<16xi32>
      %parallel_loop3A_377 = arith.constant 127 : i32
      %parallel_loop3A_378 = vector.broadcast %parallel_loop3A_377 : i32 to vector<16xi32>
      %parallel_loop3A_379 = arith.andi %parallel_loop3A_334, %parallel_loop3A_378 : vector<16xi32>
      %parallel_loop3A_380 = arith.addi %parallel_loop3A_376, %parallel_loop3A_379 : vector<16xi32>
      %parallel_loop3A_381 = arith.constant 4 : i32
      %parallel_loop3A_382 = vector.broadcast %parallel_loop3A_381 : i32 to vector<16xi32>
      %parallel_loop3A_383 = arith.shrsi %parallel_loop3A_380, %parallel_loop3A_382 : vector<16xi32>
      %parallel_loop3A_384 = vector.broadcast %mul3A_26 : i32 to vector<16xi32>
      %parallel_loop3A_385 = arith.addi %parallel_loop3A_384, %parallel_loop3A_383 : vector<16xi32>
      %parallel_loop3A_386 = arith.index_cast %parallel_loop3A_308 : i32 to index
      %parallel_loop3A_387 = tpu.vector_load %arg9[%parallel_loop3A_386] {strides = array<i32>} : memref<2048xi32, #tpu.memory_space<vmem>>, vector<16xi32>,
      tpu.vector_store %arg9[%parallel_loop3A_386], %parallel_loop3A_385 {strides = array<i32>} : memref<2048xi32, #tpu.memory_space<vmem>>, vector<16xi32>,
      %parallel_loop3A_388 = arith.constant 15 : i32
      %parallel_loop3A_389 = vector.broadcast %parallel_loop3A_388 : i32 to vector<16xi32>
      %parallel_loop3A_390 = arith.andi %parallel_loop3A_380, %parallel_loop3A_389 : vector<16xi32>
      %parallel_loop3A_391 = arith.index_cast %parallel_loop3A_308 : i32 to index
      %parallel_loop3A_392 = tpu.vector_load %arg10[%parallel_loop3A_391] {strides = array<i32>} : memref<2048xi32, #tpu.memory_space<vmem>>, vector<16xi32>,
      tpu.vector_store %arg10[%parallel_loop3A_391], %parallel_loop3A_390 {strides = array<i32>} : memref<2048xi32, #tpu.memory_space<vmem>>, vector<16xi32>,
      %parallel_loop3A_393 = arith.constant 128 : i32
      %parallel_loop3A_394 = arith.muli %parallel_loop3A_40, %parallel_loop3A_393 : i32
      %parallel_loop3A_395 = arith.constant 64 : i32
      %parallel_loop3A_396 = arith.addi %parallel_loop3A_394, %parallel_loop3A_395 : i32
      %parallel_loop3A_397 = arith.index_cast %parallel_loop3A_396 : i32 to index
      %parallel_loop3A_398 = tpu.vector_load %arg7[%parallel_loop3A_397] {strides = array<i32>} : memref<2048xf32, #tpu.memory_space<vmem>>, vector<16xf32>,
      %parallel_loop3A_399 = arith.index_cast %parallel_loop3A_396 : i32 to index
      %parallel_loop3A_400 = tpu.vector_load %arg8[%parallel_loop3A_399] {strides = array<i32>} : memref<2048xf32, #tpu.memory_space<vmem>>, vector<16xf32>,
      %parallel_loop3A_401 = arith.constant 5.110000e+02 : f32
      %parallel_loop3A_402 = vector.broadcast %parallel_loop3A_401 : f32 to vector<16xf32>
      %parallel_loop3A_403 = arith.mulf %parallel_loop3A_398, %parallel_loop3A_402 : vector<16xf32>
      %parallel_loop3A_404 = arith.constant 5.000000e-01 : f32
      %parallel_loop3A_405 = vector.broadcast %parallel_loop3A_404 : f32 to vector<16xf32>
      %parallel_loop3A_406 = arith.addf %parallel_loop3A_403, %parallel_loop3A_405 : vector<16xf32>
      %parallel_loop3A_407 = arith.fptosi %parallel_loop3A_406 : vector<16xf32> to vector<16xi32>
      %parallel_loop3A_408 = arith.sitofp %parallel_loop3A_407 : vector<16xi32> to vector<16xf32>
      %parallel_loop3A_409 = arith.cmpf oeq, %parallel_loop3A_408, %parallel_loop3A_406 : vector<16xf32>
      %parallel_loop3A_410 = arith.constant 1 : i32
      %parallel_loop3A_411 = vector.broadcast %parallel_loop3A_410 : i32 to vector<16xi32>
      %parallel_loop3A_412 = arith.andi %parallel_loop3A_407, %parallel_loop3A_411 : vector<16xi32>
      %parallel_loop3A_413 = arith.constant 1 : i32
      %parallel_loop3A_414 = vector.broadcast %parallel_loop3A_413 : i32 to vector<16xi32>
      %parallel_loop3A_415 = arith.cmpi eq, %parallel_loop3A_412, %parallel_loop3A_414 : vector<16xi32>
      %parallel_loop3A_416 = arith.andi %parallel_loop3A_409, %parallel_loop3A_415 : vector<16xi1>
      %parallel_loop3A_417 = arith.constant 1 : i32
      %parallel_loop3A_418 = arith.constant 0 : i32
      %parallel_loop3A_419 = vector.broadcast %parallel_loop3A_417 : i32 to vector<16xi32>
      %parallel_loop3A_420 = vector.broadcast %parallel_loop3A_418 : i32 to vector<16xi32>
      %parallel_loop3A_421 = arith.select %parallel_loop3A_416, %parallel_loop3A_419, %parallel_loop3A_420 : vector<16xi1>, vector<16xi32>
      %parallel_loop3A_422 = arith.subi %parallel_loop3A_407, %parallel_loop3A_421 : vector<16xi32>
      %parallel_loop3A_423 = arith.constant 5.110000e+02 : f32
      %parallel_loop3A_424 = vector.broadcast %parallel_loop3A_423 : f32 to vector<16xf32>
      %parallel_loop3A_425 = arith.mulf %parallel_loop3A_400, %parallel_loop3A_424 : vector<16xf32>
      %parallel_loop3A_426 = arith.constant 5.000000e-01 : f32
      %parallel_loop3A_427 = vector.broadcast %parallel_loop3A_426 : f32 to vector<16xf32>
      %parallel_loop3A_428 = arith.addf %parallel_loop3A_425, %parallel_loop3A_427 : vector<16xf32>
      %parallel_loop3A_429 = arith.fptosi %parallel_loop3A_428 : vector<16xf32> to vector<16xi32>
      %parallel_loop3A_430 = arith.sitofp %parallel_loop3A_429 : vector<16xi32> to vector<16xf32>
      %parallel_loop3A_431 = arith.cmpf oeq, %parallel_loop3A_430, %parallel_loop3A_428 : vector<16xf32>
      %parallel_loop3A_432 = arith.constant 1 : i32
      %parallel_loop3A_433 = vector.broadcast %parallel_loop3A_432 : i32 to vector<16xi32>
      %parallel_loop3A_434 = arith.andi %parallel_loop3A_429, %parallel_loop3A_433 : vector<16xi32>
      %parallel_loop3A_435 = arith.constant 1 : i32
      %parallel_loop3A_436 = vector.broadcast %parallel_loop3A_435 : i32 to vector<16xi32>
      %parallel_loop3A_437 = arith.cmpi eq, %parallel_loop3A_434, %parallel_loop3A_436 : vector<16xi32>
      %parallel_loop3A_438 = arith.andi %parallel_loop3A_431, %parallel_loop3A_437 : vector<16xi1>
      %parallel_loop3A_439 = arith.constant 1 : i32
      %parallel_loop3A_440 = arith.constant 0 : i32
      %parallel_loop3A_441 = vector.broadcast %parallel_loop3A_439 : i32 to vector<16xi32>
      %parallel_loop3A_442 = vector.broadcast %parallel_loop3A_440 : i32 to vector<16xi32>
      %parallel_loop3A_443 = arith.select %parallel_loop3A_438, %parallel_loop3A_441, %parallel_loop3A_442 : vector<16xi1>, vector<16xi32>
      %parallel_loop3A_444 = arith.subi %parallel_loop3A_429, %parallel_loop3A_443 : vector<16xi32>
      %parallel_loop3A_445 = arith.constant 3 : i32
      %parallel_loop3A_446 = vector.broadcast %parallel_loop3A_445 : i32 to vector<16xi32>
      %parallel_loop3A_447 = arith.shrsi %parallel_loop3A_444, %parallel_loop3A_446 : vector<16xi32>
      %parallel_loop3A_448 = arith.constant 4 : i32
      %parallel_loop3A_449 = vector.broadcast %parallel_loop3A_448 : i32 to vector<16xi32>
      %parallel_loop3A_450 = arith.muli %parallel_loop3A_447, %parallel_loop3A_449 : vector<16xi32>
      %parallel_loop3A_451 = arith.constant 7 : i32
      %parallel_loop3A_452 = vector.broadcast %parallel_loop3A_451 : i32 to vector<16xi32>
      %parallel_loop3A_453 = arith.shrsi %parallel_loop3A_422, %parallel_loop3A_452 : vector<16xi32>
      %parallel_loop3A_454 = arith.addi %parallel_loop3A_450, %parallel_loop3A_453 : vector<16xi32>
      %parallel_loop3A_455 = arith.constant 1024 : i32
      %parallel_loop3A_456 = vector.broadcast %parallel_loop3A_455 : i32 to vector<16xi32>
      %parallel_loop3A_457 = arith.muli %parallel_loop3A_454, %parallel_loop3A_456 : vector<16xi32>
      %parallel_loop3A_458 = arith.constant 7 : i32
      %parallel_loop3A_459 = vector.broadcast %parallel_loop3A_458 : i32 to vector<16xi32>
      %parallel_loop3A_460 = arith.andi %parallel_loop3A_444, %parallel_loop3A_459 : vector<16xi32>
      %parallel_loop3A_461 = arith.constant 128 : i32
      %parallel_loop3A_462 = vector.broadcast %parallel_loop3A_461 : i32 to vector<16xi32>
      %parallel_loop3A_463 = arith.muli %parallel_loop3A_460, %parallel_loop3A_462 : vector<16xi32>
      %parallel_loop3A_464 = arith.addi %parallel_loop3A_457, %parallel_loop3A_463 : vector<16xi32>
      %parallel_loop3A_465 = arith.constant 127 : i32
      %parallel_loop3A_466 = vector.broadcast %parallel_loop3A_465 : i32 to vector<16xi32>
      %parallel_loop3A_467 = arith.andi %parallel_loop3A_422, %parallel_loop3A_466 : vector<16xi32>
      %parallel_loop3A_468 = arith.addi %parallel_loop3A_464, %parallel_loop3A_467 : vector<16xi32>
      %parallel_loop3A_469 = arith.constant 4 : i32
      %parallel_loop3A_470 = vector.broadcast %parallel_loop3A_469 : i32 to vector<16xi32>
      %parallel_loop3A_471 = arith.shrsi %parallel_loop3A_468, %parallel_loop3A_470 : vector<16xi32>
      %parallel_loop3A_472 = vector.broadcast %mul3A_26 : i32 to vector<16xi32>
      %parallel_loop3A_473 = arith.addi %parallel_loop3A_472, %parallel_loop3A_471 : vector<16xi32>
      %parallel_loop3A_474 = arith.index_cast %parallel_loop3A_396 : i32 to index
      %parallel_loop3A_475 = tpu.vector_load %arg9[%parallel_loop3A_474] {strides = array<i32>} : memref<2048xi32, #tpu.memory_space<vmem>>, vector<16xi32>,
      tpu.vector_store %arg9[%parallel_loop3A_474], %parallel_loop3A_473 {strides = array<i32>} : memref<2048xi32, #tpu.memory_space<vmem>>, vector<16xi32>,
      %parallel_loop3A_476 = arith.constant 15 : i32
      %parallel_loop3A_477 = vector.broadcast %parallel_loop3A_476 : i32 to vector<16xi32>
      %parallel_loop3A_478 = arith.andi %parallel_loop3A_468, %parallel_loop3A_477 : vector<16xi32>
      %parallel_loop3A_479 = arith.index_cast %parallel_loop3A_396 : i32 to index
      %parallel_loop3A_480 = tpu.vector_load %arg10[%parallel_loop3A_479] {strides = array<i32>} : memref<2048xi32, #tpu.memory_space<vmem>>, vector<16xi32>,
      tpu.vector_store %arg10[%parallel_loop3A_479], %parallel_loop3A_478 {strides = array<i32>} : memref<2048xi32, #tpu.memory_space<vmem>>, vector<16xi32>,
      %parallel_loop3A_481 = arith.constant 128 : i32
      %parallel_loop3A_482 = arith.muli %parallel_loop3A_40, %parallel_loop3A_481 : i32
      %parallel_loop3A_483 = arith.constant 80 : i32
      %parallel_loop3A_484 = arith.addi %parallel_loop3A_482, %parallel_loop3A_483 : i32
      %parallel_loop3A_485 = arith.index_cast %parallel_loop3A_484 : i32 to index
      %parallel_loop3A_486 = tpu.vector_load %arg7[%parallel_loop3A_485] {strides = array<i32>} : memref<2048xf32, #tpu.memory_space<vmem>>, vector<16xf32>,
      %parallel_loop3A_487 = arith.index_cast %parallel_loop3A_484 : i32 to index
      %parallel_loop3A_488 = tpu.vector_load %arg8[%parallel_loop3A_487] {strides = array<i32>} : memref<2048xf32, #tpu.memory_space<vmem>>, vector<16xf32>,
      %parallel_loop3A_489 = arith.constant 5.110000e+02 : f32
      %parallel_loop3A_490 = vector.broadcast %parallel_loop3A_489 : f32 to vector<16xf32>
      %parallel_loop3A_491 = arith.mulf %parallel_loop3A_486, %parallel_loop3A_490 : vector<16xf32>
      %parallel_loop3A_492 = arith.constant 5.000000e-01 : f32
      %parallel_loop3A_493 = vector.broadcast %parallel_loop3A_492 : f32 to vector<16xf32>
      %parallel_loop3A_494 = arith.addf %parallel_loop3A_491, %parallel_loop3A_493 : vector<16xf32>
      %parallel_loop3A_495 = arith.fptosi %parallel_loop3A_494 : vector<16xf32> to vector<16xi32>
      %parallel_loop3A_496 = arith.sitofp %parallel_loop3A_495 : vector<16xi32> to vector<16xf32>
      %parallel_loop3A_497 = arith.cmpf oeq, %parallel_loop3A_496, %parallel_loop3A_494 : vector<16xf32>
      %parallel_loop3A_498 = arith.constant 1 : i32
      %parallel_loop3A_499 = vector.broadcast %parallel_loop3A_498 : i32 to vector<16xi32>
      %parallel_loop3A_500 = arith.andi %parallel_loop3A_495, %parallel_loop3A_499 : vector<16xi32>
      %parallel_loop3A_501 = arith.constant 1 : i32
      %parallel_loop3A_502 = vector.broadcast %parallel_loop3A_501 : i32 to vector<16xi32>
      %parallel_loop3A_503 = arith.cmpi eq, %parallel_loop3A_500, %parallel_loop3A_502 : vector<16xi32>
      %parallel_loop3A_504 = arith.andi %parallel_loop3A_497, %parallel_loop3A_503 : vector<16xi1>
      %parallel_loop3A_505 = arith.constant 1 : i32
      %parallel_loop3A_506 = arith.constant 0 : i32
      %parallel_loop3A_507 = vector.broadcast %parallel_loop3A_505 : i32 to vector<16xi32>
      %parallel_loop3A_508 = vector.broadcast %parallel_loop3A_506 : i32 to vector<16xi32>
      %parallel_loop3A_509 = arith.select %parallel_loop3A_504, %parallel_loop3A_507, %parallel_loop3A_508 : vector<16xi1>, vector<16xi32>
      %parallel_loop3A_510 = arith.subi %parallel_loop3A_495, %parallel_loop3A_509 : vector<16xi32>
      %parallel_loop3A_511 = arith.constant 5.110000e+02 : f32
      %parallel_loop3A_512 = vector.broadcast %parallel_loop3A_511 : f32 to vector<16xf32>
      %parallel_loop3A_513 = arith.mulf %parallel_loop3A_488, %parallel_loop3A_512 : vector<16xf32>
      %parallel_loop3A_514 = arith.constant 5.000000e-01 : f32
      %parallel_loop3A_515 = vector.broadcast %parallel_loop3A_514 : f32 to vector<16xf32>
      %parallel_loop3A_516 = arith.addf %parallel_loop3A_513, %parallel_loop3A_515 : vector<16xf32>
      %parallel_loop3A_517 = arith.fptosi %parallel_loop3A_516 : vector<16xf32> to vector<16xi32>
      %parallel_loop3A_518 = arith.sitofp %parallel_loop3A_517 : vector<16xi32> to vector<16xf32>
      %parallel_loop3A_519 = arith.cmpf oeq, %parallel_loop3A_518, %parallel_loop3A_516 : vector<16xf32>
      %parallel_loop3A_520 = arith.constant 1 : i32
      %parallel_loop3A_521 = vector.broadcast %parallel_loop3A_520 : i32 to vector<16xi32>
      %parallel_loop3A_522 = arith.andi %parallel_loop3A_517, %parallel_loop3A_521 : vector<16xi32>
      %parallel_loop3A_523 = arith.constant 1 : i32
      %parallel_loop3A_524 = vector.broadcast %parallel_loop3A_523 : i32 to vector<16xi32>
      %parallel_loop3A_525 = arith.cmpi eq, %parallel_loop3A_522, %parallel_loop3A_524 : vector<16xi32>
      %parallel_loop3A_526 = arith.andi %parallel_loop3A_519, %parallel_loop3A_525 : vector<16xi1>
      %parallel_loop3A_527 = arith.constant 1 : i32
      %parallel_loop3A_528 = arith.constant 0 : i32
      %parallel_loop3A_529 = vector.broadcast %parallel_loop3A_527 : i32 to vector<16xi32>
      %parallel_loop3A_530 = vector.broadcast %parallel_loop3A_528 : i32 to vector<16xi32>
      %parallel_loop3A_531 = arith.select %parallel_loop3A_526, %parallel_loop3A_529, %parallel_loop3A_530 : vector<16xi1>, vector<16xi32>
      %parallel_loop3A_532 = arith.subi %parallel_loop3A_517, %parallel_loop3A_531 : vector<16xi32>
      %parallel_loop3A_533 = arith.constant 3 : i32
      %parallel_loop3A_534 = vector.broadcast %parallel_loop3A_533 : i32 to vector<16xi32>
      %parallel_loop3A_535 = arith.shrsi %parallel_loop3A_532, %parallel_loop3A_534 : vector<16xi32>
      %parallel_loop3A_536 = arith.constant 4 : i32
      %parallel_loop3A_537 = vector.broadcast %parallel_loop3A_536 : i32 to vector<16xi32>
      %parallel_loop3A_538 = arith.muli %parallel_loop3A_535, %parallel_loop3A_537 : vector<16xi32>
      %parallel_loop3A_539 = arith.constant 7 : i32
      %parallel_loop3A_540 = vector.broadcast %parallel_loop3A_539 : i32 to vector<16xi32>
      %parallel_loop3A_541 = arith.shrsi %parallel_loop3A_510, %parallel_loop3A_540 : vector<16xi32>
      %parallel_loop3A_542 = arith.addi %parallel_loop3A_538, %parallel_loop3A_541 : vector<16xi32>
      %parallel_loop3A_543 = arith.constant 1024 : i32
      %parallel_loop3A_544 = vector.broadcast %parallel_loop3A_543 : i32 to vector<16xi32>
      %parallel_loop3A_545 = arith.muli %parallel_loop3A_542, %parallel_loop3A_544 : vector<16xi32>
      %parallel_loop3A_546 = arith.constant 7 : i32
      %parallel_loop3A_547 = vector.broadcast %parallel_loop3A_546 : i32 to vector<16xi32>
      %parallel_loop3A_548 = arith.andi %parallel_loop3A_532, %parallel_loop3A_547 : vector<16xi32>
      %parallel_loop3A_549 = arith.constant 128 : i32
      %parallel_loop3A_550 = vector.broadcast %parallel_loop3A_549 : i32 to vector<16xi32>
      %parallel_loop3A_551 = arith.muli %parallel_loop3A_548, %parallel_loop3A_550 : vector<16xi32>
      %parallel_loop3A_552 = arith.addi %parallel_loop3A_545, %parallel_loop3A_551 : vector<16xi32>
      %parallel_loop3A_553 = arith.constant 127 : i32
      %parallel_loop3A_554 = vector.broadcast %parallel_loop3A_553 : i32 to vector<16xi32>
      %parallel_loop3A_555 = arith.andi %parallel_loop3A_510, %parallel_loop3A_554 : vector<16xi32>
      %parallel_loop3A_556 = arith.addi %parallel_loop3A_552, %parallel_loop3A_555 : vector<16xi32>
      %parallel_loop3A_557 = arith.constant 4 : i32
      %parallel_loop3A_558 = vector.broadcast %parallel_loop3A_557 : i32 to vector<16xi32>
      %parallel_loop3A_559 = arith.shrsi %parallel_loop3A_556, %parallel_loop3A_558 : vector<16xi32>
      %parallel_loop3A_560 = vector.broadcast %mul3A_26 : i32 to vector<16xi32>
      %parallel_loop3A_561 = arith.addi %parallel_loop3A_560, %parallel_loop3A_559 : vector<16xi32>
      %parallel_loop3A_562 = arith.index_cast %parallel_loop3A_484 : i32 to index
      %parallel_loop3A_563 = tpu.vector_load %arg9[%parallel_loop3A_562] {strides = array<i32>} : memref<2048xi32, #tpu.memory_space<vmem>>, vector<16xi32>,
      tpu.vector_store %arg9[%parallel_loop3A_562], %parallel_loop3A_561 {strides = array<i32>} : memref<2048xi32, #tpu.memory_space<vmem>>, vector<16xi32>,
      %parallel_loop3A_564 = arith.constant 15 : i32
      %parallel_loop3A_565 = vector.broadcast %parallel_loop3A_564 : i32 to vector<16xi32>
      %parallel_loop3A_566 = arith.andi %parallel_loop3A_556, %parallel_loop3A_565 : vector<16xi32>
      %parallel_loop3A_567 = arith.index_cast %parallel_loop3A_484 : i32 to index
      %parallel_loop3A_568 = tpu.vector_load %arg10[%parallel_loop3A_567] {strides = array<i32>} : memref<2048xi32, #tpu.memory_space<vmem>>, vector<16xi32>,
      tpu.vector_store %arg10[%parallel_loop3A_567], %parallel_loop3A_566 {strides = array<i32>} : memref<2048xi32, #tpu.memory_space<vmem>>, vector<16xi32>,
      %parallel_loop3A_569 = arith.constant 128 : i32
      %parallel_loop3A_570 = arith.muli %parallel_loop3A_40, %parallel_loop3A_569 : i32
      %parallel_loop3A_571 = arith.constant 96 : i32
      %parallel_loop3A_572 = arith.addi %parallel_loop3A_570, %parallel_loop3A_571 : i32
      %parallel_loop3A_573 = arith.index_cast %parallel_loop3A_572 : i32 to index
      %parallel_loop3A_574 = tpu.vector_load %arg7[%parallel_loop3A_573] {strides = array<i32>} : memref<2048xf32, #tpu.memory_space<vmem>>, vector<16xf32>,
      %parallel_loop3A_575 = arith.index_cast %parallel_loop3A_572 : i32 to index
      %parallel_loop3A_576 = tpu.vector_load %arg8[%parallel_loop3A_575] {strides = array<i32>} : memref<2048xf32, #tpu.memory_space<vmem>>, vector<16xf32>,
      %parallel_loop3A_577 = arith.constant 5.110000e+02 : f32
      %parallel_loop3A_578 = vector.broadcast %parallel_loop3A_577 : f32 to vector<16xf32>
      %parallel_loop3A_579 = arith.mulf %parallel_loop3A_574, %parallel_loop3A_578 : vector<16xf32>
      %parallel_loop3A_580 = arith.constant 5.000000e-01 : f32
      %parallel_loop3A_581 = vector.broadcast %parallel_loop3A_580 : f32 to vector<16xf32>
      %parallel_loop3A_582 = arith.addf %parallel_loop3A_579, %parallel_loop3A_581 : vector<16xf32>
      %parallel_loop3A_583 = arith.fptosi %parallel_loop3A_582 : vector<16xf32> to vector<16xi32>
      %parallel_loop3A_584 = arith.sitofp %parallel_loop3A_583 : vector<16xi32> to vector<16xf32>
      %parallel_loop3A_585 = arith.cmpf oeq, %parallel_loop3A_584, %parallel_loop3A_582 : vector<16xf32>
      %parallel_loop3A_586 = arith.constant 1 : i32
      %parallel_loop3A_587 = vector.broadcast %parallel_loop3A_586 : i32 to vector<16xi32>
      %parallel_loop3A_588 = arith.andi %parallel_loop3A_583, %parallel_loop3A_587 : vector<16xi32>
      %parallel_loop3A_589 = arith.constant 1 : i32
      %parallel_loop3A_590 = vector.broadcast %parallel_loop3A_589 : i32 to vector<16xi32>
      %parallel_loop3A_591 = arith.cmpi eq, %parallel_loop3A_588, %parallel_loop3A_590 : vector<16xi32>
      %parallel_loop3A_592 = arith.andi %parallel_loop3A_585, %parallel_loop3A_591 : vector<16xi1>
      %parallel_loop3A_593 = arith.constant 1 : i32
      %parallel_loop3A_594 = arith.constant 0 : i32
      %parallel_loop3A_595 = vector.broadcast %parallel_loop3A_593 : i32 to vector<16xi32>
      %parallel_loop3A_596 = vector.broadcast %parallel_loop3A_594 : i32 to vector<16xi32>
      %parallel_loop3A_597 = arith.select %parallel_loop3A_592, %parallel_loop3A_595, %parallel_loop3A_596 : vector<16xi1>, vector<16xi32>
      %parallel_loop3A_598 = arith.subi %parallel_loop3A_583, %parallel_loop3A_597 : vector<16xi32>
      %parallel_loop3A_599 = arith.constant 5.110000e+02 : f32
      %parallel_loop3A_600 = vector.broadcast %parallel_loop3A_599 : f32 to vector<16xf32>
      %parallel_loop3A_601 = arith.mulf %parallel_loop3A_576, %parallel_loop3A_600 : vector<16xf32>
      %parallel_loop3A_602 = arith.constant 5.000000e-01 : f32
      %parallel_loop3A_603 = vector.broadcast %parallel_loop3A_602 : f32 to vector<16xf32>
      %parallel_loop3A_604 = arith.addf %parallel_loop3A_601, %parallel_loop3A_603 : vector<16xf32>
      %parallel_loop3A_605 = arith.fptosi %parallel_loop3A_604 : vector<16xf32> to vector<16xi32>
      %parallel_loop3A_606 = arith.sitofp %parallel_loop3A_605 : vector<16xi32> to vector<16xf32>
      %parallel_loop3A_607 = arith.cmpf oeq, %parallel_loop3A_606, %parallel_loop3A_604 : vector<16xf32>
      %parallel_loop3A_608 = arith.constant 1 : i32
      %parallel_loop3A_609 = vector.broadcast %parallel_loop3A_608 : i32 to vector<16xi32>
      %parallel_loop3A_610 = arith.andi %parallel_loop3A_605, %parallel_loop3A_609 : vector<16xi32>
      %parallel_loop3A_611 = arith.constant 1 : i32
      %parallel_loop3A_612 = vector.broadcast %parallel_loop3A_611 : i32 to vector<16xi32>
      %parallel_loop3A_613 = arith.cmpi eq, %parallel_loop3A_610, %parallel_loop3A_612 : vector<16xi32>
      %parallel_loop3A_614 = arith.andi %parallel_loop3A_607, %parallel_loop3A_613 : vector<16xi1>
      %parallel_loop3A_615 = arith.constant 1 : i32
      %parallel_loop3A_616 = arith.constant 0 : i32
      %parallel_loop3A_617 = vector.broadcast %parallel_loop3A_615 : i32 to vector<16xi32>
      %parallel_loop3A_618 = vector.broadcast %parallel_loop3A_616 : i32 to vector<16xi32>
      %parallel_loop3A_619 = arith.select %parallel_loop3A_614, %parallel_loop3A_617, %parallel_loop3A_618 : vector<16xi1>, vector<16xi32>
      %parallel_loop3A_620 = arith.subi %parallel_loop3A_605, %parallel_loop3A_619 : vector<16xi32>
      %parallel_loop3A_621 = arith.constant 3 : i32
      %parallel_loop3A_622 = vector.broadcast %parallel_loop3A_621 : i32 to vector<16xi32>
      %parallel_loop3A_623 = arith.shrsi %parallel_loop3A_620, %parallel_loop3A_622 : vector<16xi32>
      %parallel_loop3A_624 = arith.constant 4 : i32
      %parallel_loop3A_625 = vector.broadcast %parallel_loop3A_624 : i32 to vector<16xi32>
      %parallel_loop3A_626 = arith.muli %parallel_loop3A_623, %parallel_loop3A_625 : vector<16xi32>
      %parallel_loop3A_627 = arith.constant 7 : i32
      %parallel_loop3A_628 = vector.broadcast %parallel_loop3A_627 : i32 to vector<16xi32>
      %parallel_loop3A_629 = arith.shrsi %parallel_loop3A_598, %parallel_loop3A_628 : vector<16xi32>
      %parallel_loop3A_630 = arith.addi %parallel_loop3A_626, %parallel_loop3A_629 : vector<16xi32>
      %parallel_loop3A_631 = arith.constant 1024 : i32
      %parallel_loop3A_632 = vector.broadcast %parallel_loop3A_631 : i32 to vector<16xi32>
      %parallel_loop3A_633 = arith.muli %parallel_loop3A_630, %parallel_loop3A_632 : vector<16xi32>
      %parallel_loop3A_634 = arith.constant 7 : i32
      %parallel_loop3A_635 = vector.broadcast %parallel_loop3A_634 : i32 to vector<16xi32>
      %parallel_loop3A_636 = arith.andi %parallel_loop3A_620, %parallel_loop3A_635 : vector<16xi32>
      %parallel_loop3A_637 = arith.constant 128 : i32
      %parallel_loop3A_638 = vector.broadcast %parallel_loop3A_637 : i32 to vector<16xi32>
      %parallel_loop3A_639 = arith.muli %parallel_loop3A_636, %parallel_loop3A_638 : vector<16xi32>
      %parallel_loop3A_640 = arith.addi %parallel_loop3A_633, %parallel_loop3A_639 : vector<16xi32>
      %parallel_loop3A_641 = arith.constant 127 : i32
      %parallel_loop3A_642 = vector.broadcast %parallel_loop3A_641 : i32 to vector<16xi32>
      %parallel_loop3A_643 = arith.andi %parallel_loop3A_598, %parallel_loop3A_642 : vector<16xi32>
      %parallel_loop3A_644 = arith.addi %parallel_loop3A_640, %parallel_loop3A_643 : vector<16xi32>
      %parallel_loop3A_645 = arith.constant 4 : i32
      %parallel_loop3A_646 = vector.broadcast %parallel_loop3A_645 : i32 to vector<16xi32>
      %parallel_loop3A_647 = arith.shrsi %parallel_loop3A_644, %parallel_loop3A_646 : vector<16xi32>
      %parallel_loop3A_648 = vector.broadcast %mul3A_26 : i32 to vector<16xi32>
      %parallel_loop3A_649 = arith.addi %parallel_loop3A_648, %parallel_loop3A_647 : vector<16xi32>
      %parallel_loop3A_650 = arith.index_cast %parallel_loop3A_572 : i32 to index
      %parallel_loop3A_651 = tpu.vector_load %arg9[%parallel_loop3A_650] {strides = array<i32>} : memref<2048xi32, #tpu.memory_space<vmem>>, vector<16xi32>,
      tpu.vector_store %arg9[%parallel_loop3A_650], %parallel_loop3A_649 {strides = array<i32>} : memref<2048xi32, #tpu.memory_space<vmem>>, vector<16xi32>,
      %parallel_loop3A_652 = arith.constant 15 : i32
      %parallel_loop3A_653 = vector.broadcast %parallel_loop3A_652 : i32 to vector<16xi32>
      %parallel_loop3A_654 = arith.andi %parallel_loop3A_644, %parallel_loop3A_653 : vector<16xi32>
      %parallel_loop3A_655 = arith.index_cast %parallel_loop3A_572 : i32 to index
      %parallel_loop3A_656 = tpu.vector_load %arg10[%parallel_loop3A_655] {strides = array<i32>} : memref<2048xi32, #tpu.memory_space<vmem>>, vector<16xi32>,
      tpu.vector_store %arg10[%parallel_loop3A_655], %parallel_loop3A_654 {strides = array<i32>} : memref<2048xi32, #tpu.memory_space<vmem>>, vector<16xi32>,
      %parallel_loop3A_657 = arith.constant 128 : i32
      %parallel_loop3A_658 = arith.muli %parallel_loop3A_40, %parallel_loop3A_657 : i32
      %parallel_loop3A_659 = arith.constant 112 : i32
      %parallel_loop3A_660 = arith.addi %parallel_loop3A_658, %parallel_loop3A_659 : i32
      %parallel_loop3A_661 = arith.index_cast %parallel_loop3A_660 : i32 to index
      %parallel_loop3A_662 = tpu.vector_load %arg7[%parallel_loop3A_661] {strides = array<i32>} : memref<2048xf32, #tpu.memory_space<vmem>>, vector<16xf32>,
      %parallel_loop3A_663 = arith.index_cast %parallel_loop3A_660 : i32 to index
      %parallel_loop3A_664 = tpu.vector_load %arg8[%parallel_loop3A_663] {strides = array<i32>} : memref<2048xf32, #tpu.memory_space<vmem>>, vector<16xf32>,
      %parallel_loop3A_665 = arith.constant 5.110000e+02 : f32
      %parallel_loop3A_666 = vector.broadcast %parallel_loop3A_665 : f32 to vector<16xf32>
      %parallel_loop3A_667 = arith.mulf %parallel_loop3A_662, %parallel_loop3A_666 : vector<16xf32>
      %parallel_loop3A_668 = arith.constant 5.000000e-01 : f32
      %parallel_loop3A_669 = vector.broadcast %parallel_loop3A_668 : f32 to vector<16xf32>
      %parallel_loop3A_670 = arith.addf %parallel_loop3A_667, %parallel_loop3A_669 : vector<16xf32>
      %parallel_loop3A_671 = arith.fptosi %parallel_loop3A_670 : vector<16xf32> to vector<16xi32>
      %parallel_loop3A_672 = arith.sitofp %parallel_loop3A_671 : vector<16xi32> to vector<16xf32>
      %parallel_loop3A_673 = arith.cmpf oeq, %parallel_loop3A_672, %parallel_loop3A_670 : vector<16xf32>
      %parallel_loop3A_674 = arith.constant 1 : i32
      %parallel_loop3A_675 = vector.broadcast %parallel_loop3A_674 : i32 to vector<16xi32>
      %parallel_loop3A_676 = arith.andi %parallel_loop3A_671, %parallel_loop3A_675 : vector<16xi32>
      %parallel_loop3A_677 = arith.constant 1 : i32
      %parallel_loop3A_678 = vector.broadcast %parallel_loop3A_677 : i32 to vector<16xi32>
      %parallel_loop3A_679 = arith.cmpi eq, %parallel_loop3A_676, %parallel_loop3A_678 : vector<16xi32>
      %parallel_loop3A_680 = arith.andi %parallel_loop3A_673, %parallel_loop3A_679 : vector<16xi1>
      %parallel_loop3A_681 = arith.constant 1 : i32
      %parallel_loop3A_682 = arith.constant 0 : i32
      %parallel_loop3A_683 = vector.broadcast %parallel_loop3A_681 : i32 to vector<16xi32>
      %parallel_loop3A_684 = vector.broadcast %parallel_loop3A_682 : i32 to vector<16xi32>
      %parallel_loop3A_685 = arith.select %parallel_loop3A_680, %parallel_loop3A_683, %parallel_loop3A_684 : vector<16xi1>, vector<16xi32>
      %parallel_loop3A_686 = arith.subi %parallel_loop3A_671, %parallel_loop3A_685 : vector<16xi32>
      %parallel_loop3A_687 = arith.constant 5.110000e+02 : f32
      %parallel_loop3A_688 = vector.broadcast %parallel_loop3A_687 : f32 to vector<16xf32>
      %parallel_loop3A_689 = arith.mulf %parallel_loop3A_664, %parallel_loop3A_688 : vector<16xf32>
      %parallel_loop3A_690 = arith.constant 5.000000e-01 : f32
      %parallel_loop3A_691 = vector.broadcast %parallel_loop3A_690 : f32 to vector<16xf32>
      %parallel_loop3A_692 = arith.addf %parallel_loop3A_689, %parallel_loop3A_691 : vector<16xf32>
      %parallel_loop3A_693 = arith.fptosi %parallel_loop3A_692 : vector<16xf32> to vector<16xi32>
      %parallel_loop3A_694 = arith.sitofp %parallel_loop3A_693 : vector<16xi32> to vector<16xf32>
      %parallel_loop3A_695 = arith.cmpf oeq, %parallel_loop3A_694, %parallel_loop3A_692 : vector<16xf32>
      %parallel_loop3A_696 = arith.constant 1 : i32
      %parallel_loop3A_697 = vector.broadcast %parallel_loop3A_696 : i32 to vector<16xi32>
      %parallel_loop3A_698 = arith.andi %parallel_loop3A_693, %parallel_loop3A_697 : vector<16xi32>
      %parallel_loop3A_699 = arith.constant 1 : i32
      %parallel_loop3A_700 = vector.broadcast %parallel_loop3A_699 : i32 to vector<16xi32>
      %parallel_loop3A_701 = arith.cmpi eq, %parallel_loop3A_698, %parallel_loop3A_700 : vector<16xi32>
      %parallel_loop3A_702 = arith.andi %parallel_loop3A_695, %parallel_loop3A_701 : vector<16xi1>
      %parallel_loop3A_703 = arith.constant 1 : i32
      %parallel_loop3A_704 = arith.constant 0 : i32
      %parallel_loop3A_705 = vector.broadcast %parallel_loop3A_703 : i32 to vector<16xi32>
      %parallel_loop3A_706 = vector.broadcast %parallel_loop3A_704 : i32 to vector<16xi32>
      %parallel_loop3A_707 = arith.select %parallel_loop3A_702, %parallel_loop3A_705, %parallel_loop3A_706 : vector<16xi1>, vector<16xi32>
      %parallel_loop3A_708 = arith.subi %parallel_loop3A_693, %parallel_loop3A_707 : vector<16xi32>
      %parallel_loop3A_709 = arith.constant 3 : i32
      %parallel_loop3A_710 = vector.broadcast %parallel_loop3A_709 : i32 to vector<16xi32>
      %parallel_loop3A_711 = arith.shrsi %parallel_loop3A_708, %parallel_loop3A_710 : vector<16xi32>
      %parallel_loop3A_712 = arith.constant 4 : i32
      %parallel_loop3A_713 = vector.broadcast %parallel_loop3A_712 : i32 to vector<16xi32>
      %parallel_loop3A_714 = arith.muli %parallel_loop3A_711, %parallel_loop3A_713 : vector<16xi32>
      %parallel_loop3A_715 = arith.constant 7 : i32
      %parallel_loop3A_716 = vector.broadcast %parallel_loop3A_715 : i32 to vector<16xi32>
      %parallel_loop3A_717 = arith.shrsi %parallel_loop3A_686, %parallel_loop3A_716 : vector<16xi32>
      %parallel_loop3A_718 = arith.addi %parallel_loop3A_714, %parallel_loop3A_717 : vector<16xi32>
      %parallel_loop3A_719 = arith.constant 1024 : i32
      %parallel_loop3A_720 = vector.broadcast %parallel_loop3A_719 : i32 to vector<16xi32>
      %parallel_loop3A_721 = arith.muli %parallel_loop3A_718, %parallel_loop3A_720 : vector<16xi32>
      %parallel_loop3A_722 = arith.constant 7 : i32
      %parallel_loop3A_723 = vector.broadcast %parallel_loop3A_722 : i32 to vector<16xi32>
      %parallel_loop3A_724 = arith.andi %parallel_loop3A_708, %parallel_loop3A_723 : vector<16xi32>
      %parallel_loop3A_725 = arith.constant 128 : i32
      %parallel_loop3A_726 = vector.broadcast %parallel_loop3A_725 : i32 to vector<16xi32>
      %parallel_loop3A_727 = arith.muli %parallel_loop3A_724, %parallel_loop3A_726 : vector<16xi32>
      %parallel_loop3A_728 = arith.addi %parallel_loop3A_721, %parallel_loop3A_727 : vector<16xi32>
      %parallel_loop3A_729 = arith.constant 127 : i32
      %parallel_loop3A_730 = vector.broadcast %parallel_loop3A_729 : i32 to vector<16xi32>
      %parallel_loop3A_731 = arith.andi %parallel_loop3A_686, %parallel_loop3A_730 : vector<16xi32>
      %parallel_loop3A_732 = arith.addi %parallel_loop3A_728, %parallel_loop3A_731 : vector<16xi32>
      %parallel_loop3A_733 = arith.constant 4 : i32
      %parallel_loop3A_734 = vector.broadcast %parallel_loop3A_733 : i32 to vector<16xi32>
      %parallel_loop3A_735 = arith.shrsi %parallel_loop3A_732, %parallel_loop3A_734 : vector<16xi32>
      %parallel_loop3A_736 = vector.broadcast %mul3A_26 : i32 to vector<16xi32>
      %parallel_loop3A_737 = arith.addi %parallel_loop3A_736, %parallel_loop3A_735 : vector<16xi32>
      %parallel_loop3A_738 = arith.index_cast %parallel_loop3A_660 : i32 to index
      %parallel_loop3A_739 = tpu.vector_load %arg9[%parallel_loop3A_738] {strides = array<i32>} : memref<2048xi32, #tpu.memory_space<vmem>>, vector<16xi32>,
      tpu.vector_store %arg9[%parallel_loop3A_738], %parallel_loop3A_737 {strides = array<i32>} : memref<2048xi32, #tpu.memory_space<vmem>>, vector<16xi32>,
      %parallel_loop3A_740 = arith.constant 15 : i32
      %parallel_loop3A_741 = vector.broadcast %parallel_loop3A_740 : i32 to vector<16xi32>
      %parallel_loop3A_742 = arith.andi %parallel_loop3A_732, %parallel_loop3A_741 : vector<16xi32>
      %parallel_loop3A_743 = arith.index_cast %parallel_loop3A_660 : i32 to index
      %parallel_loop3A_744 = tpu.vector_load %arg10[%parallel_loop3A_743] {strides = array<i32>} : memref<2048xi32, #tpu.memory_space<vmem>>, vector<16xi32>,
      tpu.vector_store %arg10[%parallel_loop3A_743], %parallel_loop3A_742 {strides = array<i32>} : memref<2048xi32, #tpu.memory_space<vmem>>, vector<16xi32>,
      %parallel_loop3A_745 = arith.constant 128 : i32
      %parallel_loop3A_746 = arith.muli %parallel_loop3A_40, %parallel_loop3A_745 : i32
      %parallel_loop3A_747 = arith.constant 0 : i32
      %parallel_loop3A_748 = tpu.memref_slice %arg11[%parallel_loop3A_746, %parallel_loop3A_747] : memref<2048x16xf32, #tpu.memory_space<vmem>> -> memref<128x16xf32, #tpu.memory_space<vmem>>
      %parallel_loop3A_749 = tpu.memref_slice %arg9[%parallel_loop3A_746] : memref<2048xi32, #tpu.memory_space<vmem>> -> memref<128xi32, #tpu.memory_space<vmem>>
      %parallel_loop3A_750 = arith.constant 0 : i32
      %parallel_loop3A_751 = arith.constant 0 : i32
      %parallel_loop3A_752 = tpu.memref_slice %arg2[%parallel_loop3A_750, %parallel_loop3A_751] : memref<262144x16xf32, #tpu.memory_space<hbm>> -> memref<262144x16xf32, #tpu.memory_space<hbm>>
      tpu.enqueue_indirect_dma source(%parallel_loop3A_752 : memref<262144x16xf32, #tpu.memory_space<hbm>>) target(%parallel_loop3A_748 : memref<128x16xf32, #tpu.memory_space<vmem>>) offsets(%parallel_loop3A_749 : memref<128xi32, #tpu.memory_space<vmem>>) semaphore(%arg14 : memref<!tpu.dma_semaphore, #tpu.memory_space<semaphore_mem>>)
      %parallel_loop3A_753 = arith.constant 0 : i32
      %parallel_loop3A_754 = tpu.memref_slice %arg12[%parallel_loop3A_746, %parallel_loop3A_753] : memref<2048x16xf32, #tpu.memory_space<vmem>> -> memref<128x16xf32, #tpu.memory_space<vmem>>
      %parallel_loop3A_755 = tpu.memref_slice %arg9[%parallel_loop3A_746] : memref<2048xi32, #tpu.memory_space<vmem>> -> memref<128xi32, #tpu.memory_space<vmem>>
      %parallel_loop3A_756 = arith.constant 0 : i32
      %parallel_loop3A_757 = arith.constant 0 : i32
      %parallel_loop3A_758 = tpu.memref_slice %arg3[%parallel_loop3A_756, %parallel_loop3A_757] : memref<262144x16xf32, #tpu.memory_space<hbm>> -> memref<262144x16xf32, #tpu.memory_space<hbm>>
      tpu.enqueue_indirect_dma source(%parallel_loop3A_758 : memref<262144x16xf32, #tpu.memory_space<hbm>>) target(%parallel_loop3A_754 : memref<128x16xf32, #tpu.memory_space<vmem>>) offsets(%parallel_loop3A_755 : memref<128xi32, #tpu.memory_space<vmem>>) semaphore(%arg14 : memref<!tpu.dma_semaphore, #tpu.memory_space<semaphore_mem>>)
    } {sc.loop_unroll_factor = 1 : i64, sc.parallel_access}
    %iota3A = tpu.iota {dimensions = array<i32: 0>} : vector<16xi32>
    %broadcast_in_dim3A = arith.constant 0.000000e+00 : f32
    %broadcast_in_dim3A_29 = vector.broadcast %broadcast_in_dim3A : f32 to vector<16xf32>
    %scan3A = arith.constant 0 : i32
    %scan3A_30 = arith.constant 16 : i32
    %scan3A_31 = arith.addi %scan3A, %scan3A_30 : i32
    %scan3A_32 = arith.constant 1 : i32
    %scan3A_33 = scf.for %scan3A_40 = %scan3A to %scan3A_31 step %scan3A_32 iter_args(%scan3A_41 = %broadcast_in_dim3A_29) -> (vector<16xf32>)  : i32 {
      %mul3A_42 = arith.constant 128 : i32
      %mul3A_43 = arith.muli %scan3A_40, %mul3A_42 : i32
      %dma_wait3A_44 = arith.constant 0 : i32
      %dma_wait3A_45 = tpu.memref_slice %arg11[%mul3A_43, %dma_wait3A_44] : memref<2048x16xf32, #tpu.memory_space<vmem>> -> memref<128x16xf32, #tpu.memory_space<vmem>>
      %dma_wait3A_46 = tpu.memref_slice %arg9[%mul3A_43] : memref<2048xi32, #tpu.memory_space<vmem>> -> memref<128xi32, #tpu.memory_space<vmem>>
      %dma_wait3A_47 = arith.constant 0 : i32
      %dma_wait3A_48 = arith.constant 0 : i32
      %dma_wait3A_49 = tpu.memref_slice %arg2[%dma_wait3A_47, %dma_wait3A_48] : memref<262144x16xf32, #tpu.memory_space<hbm>> -> memref<262144x16xf32, #tpu.memory_space<hbm>>
      tpu.wait_indirect_dma semaphore(%arg14 : memref<!tpu.dma_semaphore, #tpu.memory_space<semaphore_mem>>) src(%dma_wait3A_49 : memref<262144x16xf32, #tpu.memory_space<hbm>>) dst(%dma_wait3A_45 : memref<128x16xf32, #tpu.memory_space<vmem>>)
      %dma_wait3A_50 = arith.constant 0 : i32
      %dma_wait3A_51 = tpu.memref_slice %arg12[%mul3A_43, %dma_wait3A_50] : memref<2048x16xf32, #tpu.memory_space<vmem>> -> memref<128x16xf32, #tpu.memory_space<vmem>>
      %dma_wait3A_52 = tpu.memref_slice %arg9[%mul3A_43] : memref<2048xi32, #tpu.memory_space<vmem>> -> memref<128xi32, #tpu.memory_space<vmem>>
      %dma_wait3A_53 = arith.constant 0 : i32
      %dma_wait3A_54 = arith.constant 0 : i32
      %dma_wait3A_55 = tpu.memref_slice %arg3[%dma_wait3A_53, %dma_wait3A_54] : memref<262144x16xf32, #tpu.memory_space<hbm>> -> memref<262144x16xf32, #tpu.memory_space<hbm>>
      tpu.wait_indirect_dma semaphore(%arg14 : memref<!tpu.dma_semaphore, #tpu.memory_space<semaphore_mem>>) src(%dma_wait3A_55 : memref<262144x16xf32, #tpu.memory_space<hbm>>) dst(%dma_wait3A_51 : memref<128x16xf32, #tpu.memory_space<vmem>>)
      %mul3A_56 = arith.constant 128 : i32
      %mul3A_57 = arith.muli %scan3A_40, %mul3A_56 : i32
      %add3A_58 = vector.broadcast %mul3A_57 : i32 to vector<16xi32>
      %add3A_59 = arith.addi %iota3A, %add3A_58 : vector<16xi32>
      %mul3A_60 = arith.constant 128 : i32
      %mul3A_61 = arith.muli %scan3A_40, %mul3A_60 : i32
      %add3A_62 = arith.constant 0 : i32
      %add3A_63 = arith.addi %mul3A_61, %add3A_62 : i32
      %add3A_64 = arith.constant 0 : i32
      %add3A_65 = vector.broadcast %add3A_64 : i32 to vector<16xi32>
      %add3A_66 = arith.addi %add3A_59, %add3A_65 : vector<16xi32>
      %get3A = arith.index_cast %add3A_63 : i32 to index
      %get3A_67 = tpu.vector_load %arg10[%get3A] {strides = array<i32>} : memref<2048xi32, #tpu.memory_space<vmem>>, vector<16xi32>,
      %gather3A = tpu.vector_load_idx %arg11[%add3A_66, %get3A_67] : memref<2048x16xf32, #tpu.memory_space<vmem>>[vector<16xi32>, vector<16xi32>], vector<16xf32>,
      %gather3A_68 = tpu.vector_load_idx %arg12[%add3A_66, %get3A_67] : memref<2048x16xf32, #tpu.memory_space<vmem>>[vector<16xi32>, vector<16xi32>], vector<16xf32>,
      %sub3A_69 = arith.subf %gather3A, %gather3A_68 : vector<16xf32>
      %mul3A_70 = arith.mulf %sub3A_69, %sub3A_69 : vector<16xf32>
      %add3A_71 = arith.addf %scan3A_41, %mul3A_70 : vector<16xf32>
      %mul3A_72 = arith.constant 128 : i32
      %mul3A_73 = arith.muli %scan3A_40, %mul3A_72 : i32
      %add3A_74 = arith.constant 16 : i32
      %add3A_75 = arith.addi %mul3A_73, %add3A_74 : i32
      %add3A_76 = arith.constant 16 : i32
      %add3A_77 = vector.broadcast %add3A_76 : i32 to vector<16xi32>
      %add3A_78 = arith.addi %add3A_59, %add3A_77 : vector<16xi32>
      %get3A_79 = arith.index_cast %add3A_75 : i32 to index
      %get3A_80 = tpu.vector_load %arg10[%get3A_79] {strides = array<i32>} : memref<2048xi32, #tpu.memory_space<vmem>>, vector<16xi32>,
      %gather3A_81 = tpu.vector_load_idx %arg11[%add3A_78, %get3A_80] : memref<2048x16xf32, #tpu.memory_space<vmem>>[vector<16xi32>, vector<16xi32>], vector<16xf32>,
      %gather3A_82 = tpu.vector_load_idx %arg12[%add3A_78, %get3A_80] : memref<2048x16xf32, #tpu.memory_space<vmem>>[vector<16xi32>, vector<16xi32>], vector<16xf32>,
      %sub3A_83 = arith.subf %gather3A_81, %gather3A_82 : vector<16xf32>
      %mul3A_84 = arith.mulf %sub3A_83, %sub3A_83 : vector<16xf32>
      %add3A_85 = arith.addf %add3A_71, %mul3A_84 : vector<16xf32>
      %mul3A_86 = arith.constant 128 : i32
      %mul3A_87 = arith.muli %scan3A_40, %mul3A_86 : i32
      %add3A_88 = arith.constant 32 : i32
      %add3A_89 = arith.addi %mul3A_87, %add3A_88 : i32
      %add3A_90 = arith.constant 32 : i32
      %add3A_91 = vector.broadcast %add3A_90 : i32 to vector<16xi32>
      %add3A_92 = arith.addi %add3A_59, %add3A_91 : vector<16xi32>
      %get3A_93 = arith.index_cast %add3A_89 : i32 to index
      %get3A_94 = tpu.vector_load %arg10[%get3A_93] {strides = array<i32>} : memref<2048xi32, #tpu.memory_space<vmem>>, vector<16xi32>,
      %gather3A_95 = tpu.vector_load_idx %arg11[%add3A_92, %get3A_94] : memref<2048x16xf32, #tpu.memory_space<vmem>>[vector<16xi32>, vector<16xi32>], vector<16xf32>,
      %gather3A_96 = tpu.vector_load_idx %arg12[%add3A_92, %get3A_94] : memref<2048x16xf32, #tpu.memory_space<vmem>>[vector<16xi32>, vector<16xi32>], vector<16xf32>,
      %sub3A_97 = arith.subf %gather3A_95, %gather3A_96 : vector<16xf32>
      %mul3A_98 = arith.mulf %sub3A_97, %sub3A_97 : vector<16xf32>
      %add3A_99 = arith.addf %add3A_85, %mul3A_98 : vector<16xf32>
      %mul3A_100 = arith.constant 128 : i32
      %mul3A_101 = arith.muli %scan3A_40, %mul3A_100 : i32
      %add3A_102 = arith.constant 48 : i32
      %add3A_103 = arith.addi %mul3A_101, %add3A_102 : i32
      %add3A_104 = arith.constant 48 : i32
      %add3A_105 = vector.broadcast %add3A_104 : i32 to vector<16xi32>
      %add3A_106 = arith.addi %add3A_59, %add3A_105 : vector<16xi32>
      %get3A_107 = arith.index_cast %add3A_103 : i32 to index
      %get3A_108 = tpu.vector_load %arg10[%get3A_107] {strides = array<i32>} : memref<2048xi32, #tpu.memory_space<vmem>>, vector<16xi32>,
      %gather3A_109 = tpu.vector_load_idx %arg11[%add3A_106, %get3A_108] : memref<2048x16xf32, #tpu.memory_space<vmem>>[vector<16xi32>, vector<16xi32>], vector<16xf32>,
      %gather3A_110 = tpu.vector_load_idx %arg12[%add3A_106, %get3A_108] : memref<2048x16xf32, #tpu.memory_space<vmem>>[vector<16xi32>, vector<16xi32>], vector<16xf32>,
      %sub3A_111 = arith.subf %gather3A_109, %gather3A_110 : vector<16xf32>
      %mul3A_112 = arith.mulf %sub3A_111, %sub3A_111 : vector<16xf32>
      %add3A_113 = arith.addf %add3A_99, %mul3A_112 : vector<16xf32>
      %mul3A_114 = arith.constant 128 : i32
      %mul3A_115 = arith.muli %scan3A_40, %mul3A_114 : i32
      %add3A_116 = arith.constant 64 : i32
      %add3A_117 = arith.addi %mul3A_115, %add3A_116 : i32
      %add3A_118 = arith.constant 64 : i32
      %add3A_119 = vector.broadcast %add3A_118 : i32 to vector<16xi32>
      %add3A_120 = arith.addi %add3A_59, %add3A_119 : vector<16xi32>
      %get3A_121 = arith.index_cast %add3A_117 : i32 to index
      %get3A_122 = tpu.vector_load %arg10[%get3A_121] {strides = array<i32>} : memref<2048xi32, #tpu.memory_space<vmem>>, vector<16xi32>,
      %gather3A_123 = tpu.vector_load_idx %arg11[%add3A_120, %get3A_122] : memref<2048x16xf32, #tpu.memory_space<vmem>>[vector<16xi32>, vector<16xi32>], vector<16xf32>,
      %gather3A_124 = tpu.vector_load_idx %arg12[%add3A_120, %get3A_122] : memref<2048x16xf32, #tpu.memory_space<vmem>>[vector<16xi32>, vector<16xi32>], vector<16xf32>,
      %sub3A_125 = arith.subf %gather3A_123, %gather3A_124 : vector<16xf32>
      %mul3A_126 = arith.mulf %sub3A_125, %sub3A_125 : vector<16xf32>
      %add3A_127 = arith.addf %add3A_113, %mul3A_126 : vector<16xf32>
      %mul3A_128 = arith.constant 128 : i32
      %mul3A_129 = arith.muli %scan3A_40, %mul3A_128 : i32
      %add3A_130 = arith.constant 80 : i32
      %add3A_131 = arith.addi %mul3A_129, %add3A_130 : i32
      %add3A_132 = arith.constant 80 : i32
      %add3A_133 = vector.broadcast %add3A_132 : i32 to vector<16xi32>
      %add3A_134 = arith.addi %add3A_59, %add3A_133 : vector<16xi32>
      %get3A_135 = arith.index_cast %add3A_131 : i32 to index
      %get3A_136 = tpu.vector_load %arg10[%get3A_135] {strides = array<i32>} : memref<2048xi32, #tpu.memory_space<vmem>>, vector<16xi32>,
      %gather3A_137 = tpu.vector_load_idx %arg11[%add3A_134, %get3A_136] : memref<2048x16xf32, #tpu.memory_space<vmem>>[vector<16xi32>, vector<16xi32>], vector<16xf32>,
      %gather3A_138 = tpu.vector_load_idx %arg12[%add3A_134, %get3A_136] : memref<2048x16xf32, #tpu.memory_space<vmem>>[vector<16xi32>, vector<16xi32>], vector<16xf32>,
      %sub3A_139 = arith.subf %gather3A_137, %gather3A_138 : vector<16xf32>
      %mul3A_140 = arith.mulf %sub3A_139, %sub3A_139 : vector<16xf32>
      %add3A_141 = arith.addf %add3A_127, %mul3A_140 : vector<16xf32>
      %mul3A_142 = arith.constant 128 : i32
      %mul3A_143 = arith.muli %scan3A_40, %mul3A_142 : i32
      %add3A_144 = arith.constant 96 : i32
      %add3A_145 = arith.addi %mul3A_143, %add3A_144 : i32
      %add3A_146 = arith.constant 96 : i32
      %add3A_147 = vector.broadcast %add3A_146 : i32 to vector<16xi32>
      %add3A_148 = arith.addi %add3A_59, %add3A_147 : vector<16xi32>
      %get3A_149 = arith.index_cast %add3A_145 : i32 to index
      %get3A_150 = tpu.vector_load %arg10[%get3A_149] {strides = array<i32>} : memref<2048xi32, #tpu.memory_space<vmem>>, vector<16xi32>,
      %gather3A_151 = tpu.vector_load_idx %arg11[%add3A_148, %get3A_150] : memref<2048x16xf32, #tpu.memory_space<vmem>>[vector<16xi32>, vector<16xi32>], vector<16xf32>,
      %gather3A_152 = tpu.vector_load_idx %arg12[%add3A_148, %get3A_150] : memref<2048x16xf32, #tpu.memory_space<vmem>>[vector<16xi32>, vector<16xi32>], vector<16xf32>,
      %sub3A_153 = arith.subf %gather3A_151, %gather3A_152 : vector<16xf32>
      %mul3A_154 = arith.mulf %sub3A_153, %sub3A_153 : vector<16xf32>
      %add3A_155 = arith.addf %add3A_141, %mul3A_154 : vector<16xf32>
      %mul3A_156 = arith.constant 128 : i32
      %mul3A_157 = arith.muli %scan3A_40, %mul3A_156 : i32
      %add3A_158 = arith.constant 112 : i32
      %add3A_159 = arith.addi %mul3A_157, %add3A_158 : i32
      %add3A_160 = arith.constant 112 : i32
      %add3A_161 = vector.broadcast %add3A_160 : i32 to vector<16xi32>
      %add3A_162 = arith.addi %add3A_59, %add3A_161 : vector<16xi32>
      %get3A_163 = arith.index_cast %add3A_159 : i32 to index
      %get3A_164 = tpu.vector_load %arg10[%get3A_163] {strides = array<i32>} : memref<2048xi32, #tpu.memory_space<vmem>>, vector<16xi32>,
      %gather3A_165 = tpu.vector_load_idx %arg11[%add3A_162, %get3A_164] : memref<2048x16xf32, #tpu.memory_space<vmem>>[vector<16xi32>, vector<16xi32>], vector<16xf32>,
      %gather3A_166 = tpu.vector_load_idx %arg12[%add3A_162, %get3A_164] : memref<2048x16xf32, #tpu.memory_space<vmem>>[vector<16xi32>, vector<16xi32>], vector<16xf32>,
      %sub3A_167 = arith.subf %gather3A_165, %gather3A_166 : vector<16xf32>
      %mul3A_168 = arith.mulf %sub3A_167, %sub3A_167 : vector<16xf32>
      %add3A_169 = arith.addf %add3A_155, %mul3A_168 : vector<16xf32>
      scf.yield %add3A_169 : vector<16xf32>
    }
    %scan3A_34 = arith.constant 16 : i32
    %reduce_sum3A = arith.constant true
    %reduce_sum3A_35 = vector.broadcast %reduce_sum3A : i1 to vector<16xi1>
    %reduce_sum3A_36 = tpu.scan <sum>, %scan3A_33 masked %reduce_sum3A_35 : vector<16xf32>, vector<16xi1> -> vector<16xf32>
    %reduce_sum3A_37 = vector.extract %reduce_sum3A_36[15] : f32 from vector<16xf32>
    %broadcast_in_dim3A_38 = vector.broadcast %reduce_sum3A_37 : f32 to vector<16xf32>
    %swap3A = arith.constant 0 : index
    %swap3A_39 = tpu.vector_load %arg13[%swap3A] {strides = array<i32>} : memref<16xf32, #tpu.memory_space<vmem>>, vector<16xf32>,
    tpu.vector_store %arg13[%swap3A], %broadcast_in_dim3A_38 {strides = array<i32>} : memref<16xf32, #tpu.memory_space<vmem>>, vector<16xf32>,
    "tpu.region"() ({
      %run_scoped3A = tpu.sem_alloc : memref<!tpu.dma_semaphore, #tpu.memory_space<semaphore_mem>>
      %dma_start3A_40 = arith.constant 0 : i32
      %dma_start3A_41 = tpu.memref_slice %arg6[%add3A, %dma_start3A_40] : memref<32x16xf32, #tpu.memory_space<hbm>> -> memref<1x16xf32, #tpu.memory_space<hbm>>
      %dma_start3A_42 = tpu.memref_squeeze %dma_start3A_41 : memref<1x16xf32, #tpu.memory_space<hbm>> -> memref<16xf32, #tpu.memory_space<hbm>>
      %dma_start3A_43 = arith.constant 0 : i32
      %dma_start3A_44 = tpu.memref_slice %arg6[%add3A, %dma_start3A_43] : memref<32x16xf32, #tpu.memory_space<hbm>> -> memref<1x16xf32, #tpu.memory_space<hbm>>
      %dma_start3A_45 = tpu.memref_squeeze %dma_start3A_44 : memref<1x16xf32, #tpu.memory_space<hbm>> -> memref<16xf32, #tpu.memory_space<hbm>>
      tpu.enqueue_dma source(%arg13 : memref<16xf32, #tpu.memory_space<vmem>>) target(%dma_start3A_45 : memref<16xf32, #tpu.memory_space<hbm>>) target_semaphore(%run_scoped3A : memref<!tpu.dma_semaphore, #tpu.memory_space<semaphore_mem>>)
      %dma_wait3A_46 = arith.constant 0 : i32
      %dma_wait3A_47 = tpu.memref_slice %arg6[%add3A, %dma_wait3A_46] : memref<32x16xf32, #tpu.memory_space<hbm>> -> memref<1x16xf32, #tpu.memory_space<hbm>>
      %dma_wait3A_48 = tpu.memref_squeeze %dma_wait3A_47 : memref<1x16xf32, #tpu.memory_space<hbm>> -> memref<16xf32, #tpu.memory_space<hbm>>
      %dma_wait3A_49 = arith.constant 0 : i32
      %dma_wait3A_50 = tpu.memref_slice %arg6[%add3A, %dma_wait3A_49] : memref<32x16xf32, #tpu.memory_space<hbm>> -> memref<1x16xf32, #tpu.memory_space<hbm>>
      %dma_wait3A_51 = tpu.memref_squeeze %dma_wait3A_50 : memref<1x16xf32, #tpu.memory_space<hbm>> -> memref<16xf32, #tpu.memory_space<hbm>>
      tpu.wait_dma2 semaphore(%run_scoped3A : memref<!tpu.dma_semaphore, #tpu.memory_space<semaphore_mem>>) src(%arg13 : memref<16xf32, #tpu.memory_space<vmem>>) dst(%dma_wait3A_51 : memref<16xf32, #tpu.memory_space<hbm>>)
      tpu.yield
    }) : () -> ()
    return
  }
}

module attributes {stable_mosaic.version = 14 : i64} {
  func.func @_finish_body(%arg0: memref<512xf32, #tpu.memory_space<vmem>>, %arg1: memref<1x1xf32, #tpu.memory_space<smem>>) attributes {dimension_semantics = [], scalar_prefetch = 0 : i64, scratch_operands = 0 : i64, tpu.core_type = #tpu.core_type<tc>} {
    %get3A = arith.constant 0 : index
    %get3A_0 = vector.load %arg0[%get3A] : memref<512xf32, #tpu.memory_space<vmem>>, vector<512xf32>
    %reduce_sum3A = vector.shape_cast %get3A_0 : vector<512xf32> to vector<1x512xf32>
    %reduce_sum3A_1 = arith.constant dense<0.000000e+00> : vector<1xf32>
    %reduce_sum3A_2 = vector.multi_reduction <add>, %reduce_sum3A, %reduce_sum3A_1 [1] : vector<1x512xf32> to vector<1xf32>
    %reduce_sum3A_3 = vector.shape_cast %reduce_sum3A_2 : vector<1xf32> to vector<1x1xf32>
    %reduce_sum3A_4 = vector.extract %reduce_sum3A_3[0, 0] : f32 from vector<1x1xf32>
    %mul3A = arith.constant 9.53674316E-7 : f32
    %mul3A_5 = arith.mulf %reduce_sum3A_4, %mul3A : f32
    %swap3A = arith.constant 0 : index
    %swap3A_6 = arith.constant 0 : index
    %swap3A_7 = memref.load %arg1[%swap3A, %swap3A_6] : memref<1x1xf32, #tpu.memory_space<smem>>
    memref.store %mul3A_5, %arg1[%swap3A, %swap3A_6] : memref<1x1xf32, #tpu.memory_space<smem>>
    return
  }
}

</mosaic_0001>

<sc_bundles>
// kernel: kernel.4.cloned.1.call-start
scs
__scs_entry_jumppad:
0x0: {  	(pc) =	sbr.rel $0x88, $3  }
0x1: {  	(tag) =	ssettag $0x0;
	lr =	simm.s32 $0x1  }
0x2: {  	[smem:$0x3F9E] =	sst lr;
	_ =	strace $0xD0000000  }
0x3: {  	_ = 	snop  }
0x4: {  	_ = 	snop  }
0x5: {  	_ = 	snop  }
0x6: {  	_ = 	snop  }
0x7: {  	_ = 	snop  }
__scs_overlays_trampoline_lowered:
0x8: {  	[smem:$0x3FAD] =	sst s0  }
0x9: {  	[smem:$0x3FAE] =	sst s1  }
0xa: {  	[smem:$0x3FAF] =	sst s2  }
0xb: {  	[smem:$0x3FB0] =	sst s3  }
0xc: {  	[smem:$0x3FB1] =	sst s4  }
0xd: {  	[smem:$0x3FB2] =	sst s5  }
0xe: {  	[smem:$0x3FB3] =	sst s6  }
0xf: {  	[smem:$0x3FB4] =	sst s7  }
0x10: {  	[smem:$0x3FB5] =	sst s8  }
0x11: {  	[smem:$0x3FB6] =	sst s9;
	s0 =	simm.s32 @!p0 $0x0  }
0x12: {  	s1 =	sld [smem:$0x3F9C];
	s0 =	simm.s32 @p0 $0x1  }
0x13: {  	[smem:$0x3FB7] =	sst s0;
	s0 =	simm.s32 @!p1 $0x0  }
0x14: {  	s2 =	sld [smem:$0x3F9B];
	s0 =	simm.s32 @p1 $0x1  }
0x15: {  	[smem:$0x3FB8] =	sst s0;
	s0 =	simm.s32 @!p2 $0x0  }
0x16: {  	s3 =	sld [smem:$0x3FDB];
	s0 =	simm.s32 @p2 $0x1  }
0x17: {  	s4 =	simm.s32 $0x1BF5;
	[smem:$0x3FBA] =	sst s0  }
0x18: {  	s0 =	sld [smem:$0x3F9D];
	_ =	swait.ge [sflag:s4], $0x0  }
0x19: {  	s7 =	sld [smem:$0x3F9E]  }
0x1a: {  	s8 =	sadd.s32 $0xFFFFE003, lr  }
0x1b: {  	s9 =	sadd.s32 $0xFFFFFEF7, lr;
	s5 =	simm.s32 $0xFFFFFFFF;
	p2 =	slt.u32 s8, $0xFFFFF086  }
0x1c: {  	p1 =	slt.u32 s9, $0xF7A;
	s5 =	simm.s32 @!p2 $0x0  }
0x1d: {  	s5 =	simm.s32 @p1 $0x1;
	p0 =	seq.s32 s7, s2  }
0x1e: {  	s7 =	smul.u32 @!p0 $0xF7A, s2;
	p2 =	seq.s32 @!p0 s5, $0x0  }
0x1f: {  	s9 =	smul.u32 $0xF7A, s1;
	s8 =	simm.s32 @!p0 $0x1BF5;
	p2 =	por !p2, p0  }
0x20: {  	[sflag:s8] =	ssyncset.s32 @!p0 $0xFFFFF086;
	s6 =	sadd.s32 @!p0 s3, s7;
	s7 =	simm.s32 @!p0 $0x108  }
0x21: {  	s3 =	sadd.s32 s3, s9;
	s6 =	sadd.s32 @!p0 $0x88, s6;
	s7 =	simm.s32 @p2 $0x1082  }
0x22: {  	[simem:s7], [sflag:s8] =	dma.local @!p0 [hbm:s6], $0xF7A  }
0x23: {  	s9 =	sor.u32 $0xD0000000, s2;
	s6 =	simm.s32 $0x108;
	_ =	swait.ge @!p0 [sflag:s8], $0x0  }
0x24: {  	s3 =	sadd.s32 $0x88, s3;
	s6 =	simm.s32 @!p1 $0x1082;
	[sflag:s4] =	ssyncset.s32 $0xFFFFF086  }
0x25: {  	[simem:s6], [sflag:s4] =	dma.local [hbm:s3], $0xF7A  }
0x26: {  	[smem:$0x3F9E] =	sst s1;
	(tag) =	ssettag s2;
	_ =	strace s9  }
0x27: {  	s1 =	sld [smem:$0x3FAE]  }
0x28: {  	s2 =	sld [smem:$0x3FAF]  }
0x29: {  	s4 =	sld [smem:$0x3FB1]  }
0x2a: {  	p0 =	seq.s32 s5, $0x0;
	s5 =	sld [smem:$0x3FB2]  }
0x2b: {  	s6 =	sld [smem:$0x3FB3]  }
0x2c: {  	s7 =	sld [smem:$0x3FB4]  }
0x2d: {  	s3 =	simm.s32 $0x108;
	s8 =	sld [smem:$0x3FB5]  }
0x2e: {  	s3 =	simm.s32 @!p0 $0x1082;
	s9 =	sld [smem:$0x3FB6]  }
0x2f: {  	lr =	sadd.s32 s0, s3;
	s0 =	sld [smem:$0x3FAD]  }
0x30: {  	s3 =	sld [smem:$0x3FB0]  }
0x31: {  	[smem:$0x3FB9] =	sst s10  }
0x32: {  	s10 =	sld [smem:$0x3FB7];
	_ =	sdelay $0x3  }
0x33: {  	p0 =	seq.s32 s10, $0x1;
	s10 =	sld [smem:$0x3FB9];
	_ =	sdelay $0x3  }
0x34: {  	[smem:$0x3FB9] =	sst s10  }
0x35: {  	s10 =	sld [smem:$0x3FB8];
	_ =	sdelay $0x3  }
0x36: {  	p1 =	seq.s32 s10, $0x1;
	s10 =	sld [smem:$0x3FB9];
	_ =	sdelay $0x3  }
0x37: {  	[smem:$0x3FB9] =	sst s10  }
0x38: {  	s10 =	sld [smem:$0x3FBA]  }
0x39: {  	_ = 	snop;
	(pc) =	sbr.ind lr, $3  }
0x3a: {  	_ = 	snop  }
0x3b: {  	_ = 	snop  }
0x3c: {  	p2 =	seq.s32 s10, $0x1;
	s10 =	sld [smem:$0x3FB9]  }
0x3d: {  	_ =	shalt  }
0x3e: {  	_ =	shalt  }
0x3f: {  	_ =	shalt  }
0x40: {  	_ =	shalt  }
0x41: {  	_ =	shalt  }
0x42: {  	_ =	shalt  }
0x43: {  	_ =	shalt  }
0x44: {  	_ =	shalt  }
0x45: {  	_ =	shalt  }
0x46: {  	_ =	shalt  }
0x47: {  	_ =	shalt  }
0x48: {  	_ =	shalt  }
0x49: {  	_ =	shalt  }
0x4a: {  	_ =	shalt  }
0x4b: {  	_ =	shalt  }
0x4c: {  	_ =	shalt  }
0x4d: {  	_ =	shalt  }
0x4e: {  	_ =	shalt  }
0x4f: {  	_ =	shalt  }
0x50: {  	_ =	shalt  }
0x51: {  	_ =	shalt  }
0x52: {  	_ =	shalt  }
0x53: {  	_ =	shalt  }
0x54: {  	_ =	shalt  }
0x55: {  	_ =	shalt  }
0x56: {  	_ =	shalt  }
0x57: {  	_ =	shalt  }
0x58: {  	_ =	shalt  }
0x59: {  	_ =	shalt  }
0x5a: {  	_ =	shalt  }
0x5b: {  	_ =	shalt  }
0x5c: {  	_ =	shalt  }
0x5d: {  	_ =	shalt  }
0x5e: {  	_ =	shalt  }
0x5f: {  	_ =	shalt  }
0x60: {  	_ =	shalt  }
0x61: {  	_ =	shalt  }
0x62: {  	_ =	shalt  }
0x63: {  	_ =	shalt  }
0x64: {  	_ =	shalt  }
0x65: {  	_ =	shalt  }
0x66: {  	_ =	shalt  }
0x67: {  	_ =	shalt  }
0x68: {  	_ =	shalt  }
0x69: {  	_ =	shalt  }
0x6a: {  	_ =	shalt  }
0x6b: {  	_ =	shalt  }
0x6c: {  	_ =	shalt  }
0x6d: {  	_ =	shalt  }
0x6e: {  	_ =	shalt  }
0x6f: {  	_ =	shalt  }
0x70: {  	_ =	shalt  }
0x71: {  	_ =	shalt  }
0x72: {  	_ =	shalt  }
0x73: {  	_ =	shalt  }
0x74: {  	_ =	shalt  }
0x75: {  	_ =	shalt  }
0x76: {  	_ =	shalt  }
0x77: {  	_ =	shalt  }
0x78: {  	_ =	shalt  }
0x79: {  	_ =	shalt  }
0x7a: {  	_ =	shalt  }
0x7b: {  	_ =	shalt  }
0x7c: {  	_ =	shalt  }
0x7d: {  	_ =	shalt  }
0x7e: {  	_ =	shalt  }
0x7f: {  	_ =	shalt  }
0x80: {  	_ =	shalt  }
0x81: {  	_ =	shalt  }
0x82: {  	_ =	shalt  }
0x83: {  	_ =	shalt  }
0x84: {  	_ =	shalt  }
0x85: {  	_ =	shalt  }
0x86: {  	_ =	shalt  }
0x87: {  	_ =	shalt  }
.Lfunc_end0:
.L_simem_size_0:
called_computation_lowered:
.L_overlay_start_0:
0x88: {  	s2 =	sld [smem:$0x3FD9]  }
0x89: {  	s3 =	sld [smem:$0x3FFE];
	_ =	sdelay $0x1  }
0x8a: {  	s1 =	srdreg.scid  }
0x8b: {  	s0 =	sand.u32 $0x1, s1  }
0x8c: {  	s17 =	sshll.u32 s0, $0xA;
	s2 =	sadd.s32 s3, s2  }
0x8d: {  	s2 =	sadd.s32 s2, s17  }
0x8e: {  	[smem:$0x3FC5] =	sst s2  }
0x8f: {  	_ = 	snop  }
0x90: {  	s2 =	sld [smem:$0x3FC9]  }
0x91: {  	s18 =	sld [smem:$0x3FC8];
	(tm) =	ssettm $0x1  }
0x92: {  	s4 =	sld [smem:$0x3FFB];
	_ =	sdelay $0x3  }
0x93: {  	_ =	strace s4  }
0x94: {  	s4 =	sld [smem:$0x3FFC];
	_ =	sdelay $0x3  }
0x95: {  	_ =	strace s4  }
0x96: {  	s4 =	sld [smem:$0x3FFD];
	_ =	sdelay $0x3  }
0x97: {  	_ =	strace s4  }
0x98: {  	_ =	strace $0x8FFFFFFF  }
0x99: {  	s19 =	sld [smem:$0x3FDB];
	_ =	sdelay $0x1  }
0x9a: {  	s5 =	simm.s32 $_scs_section_size  }
0x9b: {  	s6 =	simm.s32 $_size__tile_overlayer_lowered;
	s7 =	simm.s32 $_tile_overlayer_lowered  }
0x9c: {  	s22 =	simm.s32 $0x1BFF;
	s21 =	sshll.u32 s7, $0x1;
	s4 =	sadd.s32 s5, s19  }
0x9d: {  	s8 =	simm.s32 $0x0;
	s20 =	sshll.u32 s6, $0x1;
	s6 =	sadd.s32 s21, s4  }
0x9e: {  	[timem:s8], [sflag:s22] =	dma.local [hbm:s6], s20  }
0x9f: {  	_ =	swait.ge [sflag:s22], s20  }
0xa0: {  	s5 =	ssub.s32 $0x0, s20;
	[sflag:s22] =	ssyncset.done $0x0  }
0xa1: {  	[sflag:s22] =	ssyncadd.s32 s5;
	_ =	sdelay $0x1  }
0xa2: {  	s23 =	simm.s32 $0x1B8B  }
0xa3: {  	_ =	swait.ge [sflag:s23], $0x1  }
0xa4: {  	[sflag:s23] =	ssyncset.done $0x0  }
0xa5: {  	s25 =	simm.s32 $0x1B8E;
	s24 =	sld [smem:$0x3FFE];
	[sflag:s23] =	ssyncadd.s32 $0xFFFFFFFF  }
0xa6: {  	s26 =	simm.s32 $execute0_lowered;
	[smem:$0x3FD2] =	sst s25  }
0xa7: {  	s6 =	sshll.u32 s26, $0x1;
	_ =	strace $0x80000046;
	[dreg:$0x1] =	wrdreg $0xFFFFFFFF  }
0xa8: {  	s28 =	simm.s32 $_size_execute0_lowered;
	s4 =	sadd.s32 s4, s6;
	[dreg:$0x0] =	wrdreg $0x0  }
0xa9: {  	s6 =	sshll.u32 s28, $0x1;
	[dreg:$0x2] =	wrdreg s4  }
0xaa: {  	[dreg:$0x3] =	wrdreg s6  }
0xab: {  	[dreg:$0x4] =	wrdreg $0xC0  }
0xac: {  	_ =	task [dreg:s8], $0x5FFFF  }
0xad: {  	[dreg:$0x1] =	wrdreg $0xFFFFFFFF  }
0xae: {  	[dreg:$0x0] =	wrdreg $0x60  }
0xaf: {  	[dreg:$0x2] =	wrdreg s2  }
0xb0: {  	[dreg:$0x3] =	wrdreg s18  }
0xb1: {  	[dreg:$0x4] =	wrdreg s24  }
0xb2: {  	[dreg:$0x5] =	wrdreg $0x9  }
0xb3: {  	_ =	task.clear_ibuf [dreg:s8], $0x6FFFF;
	_ =	strace $0x90000046  }
0xb4: {  	s29 =	simm.s32 $0x9;
	_ =	strace $0x80000048  }
0xb5: {  	_ =	swait.ge [sflag:s29], $0x1  }
0xb6: {  	[sflag:s29] =	ssyncadd.s32 $0xFFFFFFFF  }
0xb7: {  	_ =	strace $0x90000048  }
0xb8: {  	_ =	sfence  }
0xb9: {  	s30 =	sld [smem:$0x0];
	_ =	sdelay $0x2  }
0xba: {  	s31 =	sshll.u32 s1, $0xD;
	s1 =	sshrl.u32 s1, $0x2  }
0xbb: {  	s3 =	sand.u32 $0x4000, s31;
	s1 =	sadd.s32 s1, s30  }
0xbc: {  	s0 =	sor.u32 s3, s0;
	s1 =	sshll.u32 s1, $0x11  }
0xbd: {  	s0 =	sor.u32 s1, s0  }
0xbe: {  	s0 =	sadd.s32 $0x8F2B, s0  }
0xbf: {  	[sflag:s0] =	ssyncadd.remote.s32 $0x1  }
0xc0: {  	_ =	sfence.sel $0xFFFF  }
0xc1: {  	[dreg:$0x0] =	wrdreg $0xFFFFFFFF;
	(pc) =	sbr.abs _section_cstart, $3  }
0xc2: {  	[dreg:$0x1] =	wrdreg $0xFFFFFFFF  }
0xc3: {  	_ =	task.clear_ibuf [dreg:s8], $0x2FFFF;
	_ =	strace $0x9FFFFFFF  }
0xc4: {  	(tm) =	ssettm $0x7FFFFFFF  }
0xc5: {  	_ =	shalt  }
tec
execute0_lowered:
.L_overlay_start_1:
0x0: {  	(tag) =	ssettag $0x1  }
0x1: {  	s1 =	rddreg [dreg:$0x0]  }
0x2: {  	s2 =	rddreg [dreg:$0x1]  }
0x3: {  	s5 =	rddreg [dreg:$0x2]  }
0x4: {  	s0 =	rddreg [dreg:$0x3];
	s4 =	simm.s32 $0x0;
	s6 =	srdreg.scid  }
0x5: {  	s3 =	stileid.u32;
	s9 =	simm.s32 $0x1;
	s12 =	simm.s32 $0x2000  }
0x6: {  	s13 =	simm.s32 $0xA000;
	s14 =	simm.s32 $0x12000;
	s15 =	simm.s32 $0x2  }
0x7: {  	[smem:$0x7FF] =	sst s4;
	s6 =	sand.u32 $0x1, s6;
	s7 =	sshll.u32 s3, $0x1  }
0x8: {  	s16 =	simm.s32 $0x0;
	_ =	strace $0x80000047;
	s7 =	sor.u32 s6, s7  }
0x9: {  	p1 =	seq.s32 s6, $0x1;
	s6 =	ssub.s32 $0x2, s6;
	p0 =	seq.s32 s7, $0x0  }
0xa: {  	v0 =	vlaneseq.u32;
	s8 =	sshll.u32 s7, $0x8;
	s7 =	sshll.u32 s7, $0x1;
	p0 =	por !p0, !p1  }
0xb: {  	v0 =	vmul.u32 $0x10, v0;
	s30 =	sshrl.u32 s6, $0x1;
	s8 =	sadd.s32 s8, s5;
	p0 =	por !p0, !p0  }
0xc: {  	s10 =	sadd.s32 s7, s5;
	s11 =	ssub.s32 s6, s30;
	s9 =	simm.s32 @!p0 $0x0  }
0xd: {  	v2 =	vimm.s32 $0x0;
	v3 =	vor.u32 $0x700, v0;
	v4 =	vor.u32 $0x600, v0;
	s5 =	simm.s32 $0x1;
	s6 =	sadd.s32 $0x2800, s8;
	s9 =	ssub.s32 s3, s9  }
0xe: {  	v5 =	vor.u32 $0x500, v0;
	v6 =	vor.u32 $0x400, v0;
	v7 =	vor.u32 $0x300, v0;
	s7 =	sadd.s32 $0x800, s8;
	s8 =	sadd.s32 $0x4800, s10;
	s31 =	sshll.u32 s9, $0xE  }
0xf: {  	v8 =	vor.u32 $0x200, v0;
	v9 =	vor.u32 $0x100, v0;
	s10 =	simm.s32 $0x800;
	s9 =	smax.u32 s11, $0x1;
	s11 =	simm.s32 $0x80;
	v1 =	vmov s31  }
.LBB2_1:
0x10: {  	[tilespmem:s4], [sflag:$0x1] =	stream.linear.gather [hbm4b:s6+s4], $0x800, $0x38;
	[tilespmem:$0x12010] =	vst v63  }
0x11: {  	_ = 	snop  }
0x12: {  	[tilespmem:s10], [sflag:$0x1] =	stream.linear.gather [hbm4b:s7+s4], $0x800, $0x38;
	[tilespmem:$0x12010] =	vst v63  }
0x13: {  	_ =	swait.ge [sflag:s5], $0x800  }
0x14: {  	[sflag:s5] =	ssyncset.done $0x0  }
0x15: {  	[sflag:s5] =	ssyncadd.s32 $0xFFFFF800  }
0x16: {  	_ =	swait.ge [sflag:s5], $0x800  }
0x17: {  	[sflag:s5] =	ssyncset.done $0x0  }
0x18: {  	s18 =	simm.s32 $0x0;
	[sflag:s5] =	ssyncadd.s32 $0xFFFFF800  }
0x19: {  	v10 =	vld [tilespmem:s18+$0x0]  }
0x1a: {  	v11 =	vld [tilespmem:s18+$0x10]  }
0x1b: {  	v12 =	vld [tilespmem:s18+$0x20]  }
0x1c: {  	v13 =	vld [tilespmem:s18+$0x30]  }
0x1d: {  	v14 =	vld [tilespmem:s18+$0x40]  }
0x1e: {  	v15 =	vld [tilespmem:s18+$0x50]  }
0x1f: {  	v16 =	vld [tilespmem:s18+$0x60]  }
0x20: {  	v17 =	vld [tilespmem:s18+$0x70]  }
0x21: {  	v18 =	vld [tilespmem:s18+$0x800]  }
0x22: {  	v19 =	vld [tilespmem:s18+$0x810]  }
0x23: {  	v20 =	vld [tilespmem:s18+$0x820];
	v10 =	vmul.f32 $5.110000000e+02, v10  }
0x24: {  	v21 =	vld [tilespmem:s18+$0x830];
	v11 =	vmul.f32 $5.110000000e+02, v11;
	v12 =	vmul.f32 $5.110000000e+02, v12  }
0x25: {  	v22 =	vld [tilespmem:s18+$0x840];
	v13 =	vmul.f32 $5.110000000e+02, v13;
	v14 =	vmul.f32 $5.110000000e+02, v14  }
0x26: {  	v23 =	vld [tilespmem:s18+$0x850];
	v15 =	vmul.f32 $5.110000000e+02, v15;
	v16 =	vmul.f32 $5.110000000e+02, v16  }
0x27: {  	v24 =	vld [tilespmem:s18+$0x860];
	v18 =	vmul.f32 $5.110000000e+02, v18;
	v17 =	vmul.f32 $5.110000000e+02, v17  }
0x28: {  	v25 =	vld [tilespmem:s18+$0x870];
	v19 =	vmul.f32 $5.110000000e+02, v19;
	v20 =	vmul.f32 $5.110000000e+02, v20;
	v10 =	vadd.f32 $5.000000000e-01, v10  }
0x29: {  	v21 =	vmul.f32 $5.110000000e+02, v21;
	v11 =	vadd.f32 $5.000000000e-01, v11;
	v12 =	vadd.f32 $5.000000000e-01, v12  }
0x2a: {  	v22 =	vmul.f32 $5.110000000e+02, v22;
	v13 =	vadd.f32 $5.000000000e-01, v13;
	v14 =	vadd.f32 $5.000000000e-01, v14  }
0x2b: {  	v23 =	vmul.f32 $5.110000000e+02, v23;
	v15 =	vadd.f32 $5.000000000e-01, v15;
	v16 =	vadd.f32 $5.000000000e-01, v16  }
0x2c: {  	v24 =	vmul.f32 $5.110000000e+02, v24;
	v17 =	vadd.f32 $5.000000000e-01, v17;
	v18 =	vadd.f32 $5.000000000e-01, v18  }
0x2d: {  	v26 =	vadd.f32 $5.000000000e-01, v19;
	v19 =	vmul.f32 $5.110000000e+02, v25;
	v25 =	vtrunc.f32 v10  }
0x2e: {  	v28 =	vadd.f32 $5.000000000e-01, v20;
	v27 =	vtrunc.f32 v11;
	v20 =	vtrunc.f32 v12  }
0x2f: {  	v30 =	vadd.f32 $5.000000000e-01, v21;
	v29 =	vtrunc.f32 v13;
	v21 =	vtrunc.f32 v14  }
0x30: {  	v31 =	vadd.f32 $5.000000000e-01, v22;
	v22 =	vtrunc.f32 v15;
	v33 =	vtrunc.f32 v16  }
0x31: {  	v32 =	vadd.f32 $5.000000000e-01, v23;
	v34 =	vtrunc.f32 v17;
	v35 =	vtrunc.f32 v18  }
0x32: {  	v37 =	vadd.f32 $5.000000000e-01, v24;
	v36 =	vtrunc.f32 v26;
	v38 =	vtrunc.f32 v28  }
0x33: {  	v39 =	vtrunc.f32 v30;
	v40 =	vadd.f32 $5.000000000e-01, v19;
	v41 =	vtrunc.f32 v31  }
0x34: {  	v42 =	vtrunc.f32 v32;
	v43 =	vtrunc.f32 v37;
	vm13 =	veq.f32 v10, v25  }
0x35: {  	vm12 =	veq.f32 v11, v27;
	vm11 =	veq.f32 v12, v20;
	vm10 =	veq.f32 v13, v29  }
0x36: {  	vm9 =	veq.f32 v14, v21;
	vm8 =	veq.f32 v15, v22;
	vm0 =	veq.f32 v18, v35  }
0x37: {  	vm6 =	veq.f32 v16, v33;
	v10 =	vcvt.f32.s32 v25;
	v11 =	vcvt.f32.s32 v27  }
0x38: {  	vm7 =	veq.f32 v17, v34;
	v12 =	vcvt.f32.s32 v20;
	v13 =	vcvt.f32.s32 v29  }
0x39: {  	vm1 =	veq.f32 v26, v36;
	v21 =	vcvt.f32.s32 v21;
	v23 =	vcvt.f32.s32 v22  }
0x3a: {  	vm2 =	veq.f32 v28, v38;
	v22 =	vcvt.f32.s32 v33;
	v24 =	vcvt.f32.s32 v34  }
0x3b: {  	vm3 =	veq.f32 v30, v39;
	v27 =	vcvt.f32.s32 v35;
	v25 =	vcvt.f32.s32 v36  }
0x3c: {  	vm4 =	veq.f32 v31, v41;
	v26 =	vcvt.f32.s32 v38;
	v28 =	vcvt.f32.s32 v39  }
0x3d: {  	vm5 =	veq.f32 v32, v42;
	v29 =	vcvt.f32.s32 v41;
	v30 =	vcvt.f32.s32 v42;
	[tilespmem:$0x1FF50] =	vst v10  }
0x3e: {  	v31 =	vcvt.f32.s32 v43;
	v44 =	vtrunc.f32 v40;
	[tilespmem:$0x1FF60] =	vst v11;
	v10 =	vand.u32 $0x1, v10  }
0x3f: {  	[tilespmem:$0x1FF70] =	vst v12;
	v11 =	vand.u32 $0x1, v11;
	v12 =	vand.u32 $0x1, v12;
	vm14 =	veq.s32 v10, $0x1  }
0x40: {  	[tilespmem:$0x1FF80] =	vst v13;
	v13 =	vand.u32 $0x1, v13;
	v10 =	vimm.s32 $0x0;
	vm13 =	vmand vm13, vm14  }
0x41: {  	v14 =	vand.u32 $0x1, v21;
	vm15 =	veq.s32 v11, $0x1;
	v10 =	vsel vm13, $0xFFFFFFFF, v10  }
0x42: {  	v15 =	vand.u32 $0x1, v23;
	vm12 =	vmand vm12, vm15;
	[tilespmem:$0x1FE30] =	vst v10;
	v10 =	vimm.s32 $0x0  }
0x43: {  	v17 =	vand.u32 $0x1, v22;
	vm13 =	veq.s32 v12, $0x1;
	v10 =	vsel vm12, $0xFFFFFFFF, v10  }
0x44: {  	v48 =	vand.u32 $0x1, v27;
	vm11 =	vmand vm11, vm13;
	[tilespmem:$0x1FE40] =	vst v10;
	v10 =	vimm.s32 $0x0  }
0x45: {  	v49 =	vand.u32 $0x1, v25;
	vm12 =	veq.s32 v13, $0x1;
	v10 =	vsel vm11, $0xFFFFFFFF, v10  }
0x46: {  	v34 =	vand.u32 $0x1, v24;
	vm10 =	vmand vm10, vm12;
	[tilespmem:$0x1FE50] =	vst v10;
	v10 =	vimm.s32 $0x0  }
0x47: {  	v50 =	vand.u32 $0x1, v26;
	vm13 =	veq.s32 v14, $0x1;
	v10 =	vsel vm10, $0xFFFFFFFF, v10  }
0x48: {  	v51 =	vand.u32 $0x1, v28;
	vm9 =	vmand vm9, vm13;
	[tilespmem:$0x1FE60] =	vst v10;
	v10 =	vimm.s32 $0x0  }
0x49: {  	v52 =	vand.u32 $0x1, v29;
	vm14 =	veq.s32 v15, $0x1;
	v10 =	vsel vm9, $0xFFFFFFFF, v10  }
0x4a: {  	vm15 =	veq.s32 v17, $0x1;
	vm8 =	vmand vm8, vm14;
	[tilespmem:$0x1FE70] =	vst v10;
	v10 =	vimm.s32 $0x0  }
0x4b: {  	v11 =	vimm.s32 $0x0;
	vm6 =	vmand vm6, vm15;
	v10 =	vsel vm8, $0xFFFFFFFF, v10  }
0x4c: {  	s17 =	simm.s32 $0x80;
	v53 =	vand.u32 $0x1, v30;
	v11 =	vsel vm6, $0xFFFFFFFF, v11;
	vm13 =	veq.s32 v34, $0x1;
	[tilespmem:$0x1FE80] =	vst v10  }
0x4d: {  	v54 =	vand.u32 $0x1, v31;
	vm6 =	vmand vm7, vm13;
	v10 =	vld [tilespmem:s17+$0x0];
	[tilespmem:$0x1FE90] =	vst v11;
	v11 =	vimm.s32 $0x0  }
0x4e: {  	vm14 =	veq.s32 v49, $0x1;
	vm12 =	veq.s32 v48, $0x1;
	v11 =	vsel vm6, $0xFFFFFFFF, v11  }
0x4f: {  	vm15 =	veq.s32 v50, $0x1;
	vm0 =	vmand vm0, vm12;
	[tilespmem:$0x1FEC0] =	vst v11;
	v11 =	vimm.s32 $0x0  }
0x50: {  	v12 =	vimm.s32 $0x0;
	vm1 =	vmand vm1, vm14;
	v11 =	vsel vm0, $0xFFFFFFFF, v11  }
0x51: {  	v12 =	vsel vm1, $0xFFFFFFFF, v12;
	v13 =	vimm.s32 $0x0;
	vm0 =	vmand vm2, vm15;
	[tilespmem:$0x1FEA0] =	vst v11  }
0x52: {  	v41 =	vcvt.f32.s32 v44;
	vm7 =	veq.s32 v51, $0x1;
	v13 =	vsel vm0, $0xFFFFFFFF, v13;
	v11 =	vld [tilespmem:s17+$0x10];
	[tilespmem:$0x1FEB0] =	vst v12  }
0x53: {  	v15 =	vimm.s32 $0x0;
	vm1 =	vmand vm3, vm7;
	v12 =	vld [tilespmem:s17+$0x20];
	[tilespmem:$0x1FED0] =	vst v13;
	v13 =	vimm.s32 $0x0  }
0x54: {  	v14 =	vimm.s32 $0x0;
	vm8 =	veq.s32 v52, $0x1;
	v13 =	vsel vm1, $0xFFFFFFFF, v13  }
0x55: {  	vm11 =	veq.s32 v54, $0x1;
	vm0 =	vmand vm4, vm8;
	v10 =	vmul.f32 $5.110000000e+02, v10;
	[tilespmem:$0x1FEE0] =	vst v13  }
0x56: {  	vm10 =	veq.f32 v37, v43;
	vm9 =	veq.s32 v53, $0x1;
	v14 =	vsel vm0, $0xFFFFFFFF, v14;
	v13 =	vld [tilespmem:s17+$0x30]  }
0x57: {  	vm1 =	vmand vm5, vm9;
	v10 =	vadd.f32 $5.000000000e-01, v10;
	[tilespmem:$0x1FEF0] =	vst v14;
	v14 =	vimm.s32 $0x0  }
0x58: {  	vm12 =	veq.f32 v40, v44;
	vm0 =	vmand vm10, vm11;
	v14 =	vsel vm1, $0xFFFFFFFF, v14  }
0x59: {  	v15 =	vsel vm0, $0xFFFFFFFF, v15;
	v56 =	vtrunc.f32 v10;
	v11 =	vmul.f32 $5.110000000e+02, v11;
	[tilespmem:$0x1FF00] =	vst v14  }
0x5a: {  	vm14 =	veq.f32 v10, v56;
	v12 =	vmul.f32 $5.110000000e+02, v12;
	v14 =	vld [tilespmem:s17+$0x40];
	[tilespmem:$0x1FF10] =	vst v15;
	v15 =	vand.u32 $0x1, v41  }
0x5b: {  	vm13 =	veq.s32 v15, $0x1;
	v55 =	vmul.f32 $5.110000000e+02, v13;
	v13 =	vcvt.f32.s32 v56  }
0x5c: {  	v11 =	vadd.f32 $5.000000000e-01, v11;
	v17 =	vld [tilespmem:s17+$0x50];
	v15 =	vimm.s32 $0x0;
	vm0 =	vmand vm12, vm13  }
0x5d: {  	v10 =	vimm.s32 $0x0;
	v15 =	vsel vm0, $0xFFFFFFFF, v15;
	[tilespmem:$0x1FF90] =	vst v13;
	v58 =	vand.u32 $0x1, v13  }
0x5e: {  	v57 =	vadd.f32 $5.000000000e-01, v12;
	v12 =	vtrunc.f32 v11;
	[tilespmem:$0x1FF20] =	vst v15;
	vm15 =	veq.s32 v58, $0x1  }
0x5f: {  	v32 =	vadd.f32 $5.000000000e-01, v55;
	v13 =	vcvt.f32.s32 v12;
	v59 =	vld [tilespmem:s17+$0x60];
	vm0 =	vmand vm14, vm15  }
0x60: {  	vm4 =	veq.f32 v11, v12;
	v14 =	vmul.f32 $5.110000000e+02, v14;
	v10 =	vsel vm0, $0xFFFFFFFF, v10  }
0x61: {  	v17 =	vmul.f32 $5.110000000e+02, v17;
	v61 =	vtrunc.f32 v32;
	[tilespmem:$0x1FF30] =	vst v10;
	v10 =	vand.u32 $0x1, v13  }
0x62: {  	v60 =	vadd.f32 $5.000000000e-01, v14;
	v14 =	vtrunc.f32 v57;
	vm5 =	veq.s32 v10, $0x1  }
0x63: {  	v11 =	vcvt.f32.s32 v14;
	v10 =	vimm.s32 $0x0;
	vm0 =	vmand vm4, vm5  }
0x64: {  	[tilespmem:$0x1FFA0] =	vst v13;
	v46 =	vadd.f32 $5.000000000e-01, v17;
	v36 =	vmul.f32 $5.110000000e+02, v59;
	v10 =	vsel vm0, $0xFFFFFFFF, v10  }
0x65: {  	v62 =	vld [tilespmem:s17+$0x70];
	v63 =	vtrunc.f32 v60;
	[tilespmem:$0x1FF40] =	vst v10;
	v10 =	vcvt.f32.s32 v61  }
0x66: {  	[tilespmem:$0x1FFB0] =	vst v11;
	v12 =	vcvt.f32.s32 v63;
	v51 =	vtrunc.f32 v46;
	v50 =	vadd.f32 $5.000000000e-01, v36  }
0x67: {  	[tilespmem:$0x1FFC0] =	vst v10;
	v48 =	vand.u32 $0x1, v10;
	v10 =	vcvt.f32.s32 v51  }
0x68: {  	v55 =	vtrunc.f32 v50;
	v45 =	vld [tilespmem:s17+$0x800];
	[tilespmem:$0x1FFD0] =	vst v12  }
0x69: {  	v17 =	vld [tilespmem:s17+$0x810];
	[tilespmem:$0x1FFE0] =	vst v10;
	v56 =	vand.u32 $0x1, v10;
	v10 =	vcvt.f32.s32 v55  }
0x6a: {  	vm7 =	veq.f32 v32, v61;
	vm6 =	veq.f32 v57, v14  }
0x6b: {  	v47 =	vand.u32 $0x1, v11;
	vm10 =	veq.f32 v60, v63;
	v52 =	vand.u32 $0x1, v12;
	[tilespmem:$0x1FFF0] =	vst v10  }
0x6c: {  	vm8 =	veq.s32 v47, $0x1;
	vm11 =	veq.s32 v52, $0x1;
	v49 =	vmul.f32 $5.110000000e+02, v62;
	v59 =	vld [tilespmem:s17+$0x820]  }
0x6d: {  	vm12 =	veq.f32 v46, v51;
	vm14 =	vmand vm6, vm8;
	vm13 =	vmand vm10, vm11;
	v61 =	vld [tilespmem:s17+$0x830]  }
0x6e: {  	vm9 =	veq.s32 v48, $0x1;
	vm5 =	veq.f32 v50, v55;
	v37 =	vadd.f32 $5.000000000e-01, v49;
	v63 =	vld [tilespmem:s17+$0x840]  }
0x6f: {  	vm15 =	vmand vm7, vm9;
	vm4 =	veq.s32 v56, $0x1;
	v49 =	vld [tilespmem:s17+$0x850];
	v53 =	vmul.f32 $5.110000000e+02, v45  }
0x70: {  	vm12 =	vmand vm12, vm4;
	v58 =	vtrunc.f32 v37;
	v60 =	vand.u32 $0x1, v10;
	v50 =	vld [tilespmem:s17+$0x860]  }
0x71: {  	v32 =	vcvt.f32.s32 v58;
	vm6 =	veq.s32 v60, $0x1;
	v46 =	vld [tilespmem:s17+$0x870];
	v57 =	vadd.f32 $5.000000000e-01, v53  }
0x72: {  	vm7 =	veq.f32 v37, v58;
	vm11 =	vmand vm5, vm6;
	v54 =	vmul.f32 $5.110000000e+02, v17  }
0x73: {  	v48 =	vand.u32 $0x1, v32;
	v62 =	vtrunc.f32 v57;
	v40 =	vmul.f32 $5.110000000e+02, v59  }
0x74: {  	v36 =	vadd.f32 $5.000000000e-01, v54;
	v52 =	vmul.f32 $5.110000000e+02, v61;
	v54 =	vmul.f32 $5.110000000e+02, v63  }
0x75: {  	vm8 =	veq.s32 v48, $0x1;
	v55 =	vmul.f32 $5.110000000e+02, v49;
	v37 =	vmul.f32 $5.110000000e+02, v50  }
0x76: {  	vm10 =	vmand vm7, vm8;
	v60 =	vmul.f32 $5.110000000e+02, v46;
	v33 =	vcvt.f32.s32 v62  }
0x77: {  	v45 =	vtrunc.f32 v36;
	vm9 =	veq.f32 v57, v62;
	v40 =	vadd.f32 $5.000000000e-01, v40  }
0x78: {  	v34 =	vcvt.f32.s32 v45;
	vm5 =	veq.f32 v36, v45;
	v56 =	vadd.f32 $5.000000000e-01, v52  }
0x79: {  	v10 =	vld [tilespmem:$0x1FE30];
	v61 =	vadd.f32 $5.000000000e-01, v54;
	v63 =	vadd.f32 $5.000000000e-01, v37;
	v59 =	vtrunc.f32 v40  }
0x7a: {  	v43 =	vadd.f32 $5.000000000e-01, v60;
	v51 =	vand.u32 $0x1, v33;
	v35 =	vcvt.f32.s32 v59  }
0x7b: {  	vm4 =	veq.s32 v51, $0x1;
	v53 =	vand.u32 $0x1, v34;
	v47 =	vtrunc.f32 v56  }
0x7c: {  	v48 =	vtrunc.f32 v61;
	v49 =	vtrunc.f32 v63;
	v57 =	vand.u32 $0x1, v35  }
0x7d: {  	vm9 =	vmand vm9, vm4;
	vm7 =	veq.f32 v40, v59;
	vm4 =	veq.s32 v57, $0x1  }
0x7e: {  	v37 =	vcvt.f32.s32 v48;
	vm7 =	vmand vm7, vm4;
	vm4 =	vnez.u8 v10;
	v10 =	vld [tilespmem:$0x1FE40]  }
0x7f: {  	vm6 =	veq.s32 v53, $0x1;
	v40 =	vcvt.f32.s32 v49;
	vm2 =	veq.f32 v61, v48  }
0x80: {  	vm8 =	vmand vm5, vm6;
	vm5 =	veq.f32 v56, v47;
	v60 =	vand.u32 $0x1, v37  }
0x81: {  	v61 =	vand.u32 $0x1, v40;
	vm0 =	veq.s32 v60, $0x1;
	v56 =	vsel vm4, $0xFFFFFFFF, v2  }
0x82: {  	vm4 =	vmand vm2, vm0;
	vm2 =	veq.f32 v63, v49;
	vm0 =	veq.s32 v61, $0x1  }
0x83: {  	vm0 =	vmand vm2, vm0;
	vm2 =	vnez.u8 v10;
	v10 =	vld [tilespmem:$0x1FE50];
	_ =	sdelay $0x4  }
0x84: {  	v57 =	vsel vm2, $0xFFFFFFFF, v2;
	vm2 =	vnez.u8 v10;
	v10 =	vld [tilespmem:$0x1FE60]  }
0x85: {  	v62 =	vadd.f32 $5.000000000e-01, v55;
	_ =	sdelay $0x1  }
0x86: {  	v58 =	vtrunc.f32 v62  }
0x87: {  	v38 =	vcvt.f32.s32 v58  }
0x88: {  	vm3 =	veq.f32 v62, v58;
	v58 =	vsel vm2, $0xFFFFFFFF, v2;
	vm2 =	vnez.u8 v10;
	v10 =	vld [tilespmem:$0x1FE70];
	_ =	sdelay $0x1  }
0x89: {  	v36 =	vcvt.f32.s32 v47;
	_ =	sdelay $0x1  }
0x8a: {  	v59 =	vand.u32 $0x1, v36  }
0x8b: {  	vm6 =	veq.s32 v59, $0x1;
	v59 =	vsel vm2, $0xFFFFFFFF, v2;
	vm2 =	vnez.u8 v10;
	v10 =	vld [tilespmem:$0x1FE80];
	_ =	sdelay $0x1  }
0x8c: {  	v20 =	vld [tilespmem:$0x1FF50];
	_ =	sdelay $0x2  }
0x8d: {  	v60 =	vsel vm2, $0xFFFFFFFF, v2;
	vm2 =	vnez.u8 v10;
	v10 =	vld [tilespmem:$0x1FE90];
	_ =	sdelay $0x1  }
0x8e: {  	v56 =	vadd.s32 v20, v56;
	v20 =	vld [tilespmem:$0x1FF60];
	_ =	sdelay $0x2  }
0x8f: {  	v61 =	vsel vm2, $0xFFFFFFFF, v2;
	vm2 =	vnez.u8 v10;
	v10 =	vld [tilespmem:$0x1FEA0]  }
0x90: {  	v50 =	vtrunc.f32 v43  }
0x91: {  	v39 =	vcvt.f32.s32 v50;
	v51 =	vand.u32 $0x1, v38;
	v57 =	vadd.s32 v20, v57;
	v20 =	vld [tilespmem:$0x1FF70]  }
0x92: {  	vm1 =	veq.s32 v51, $0x1  }
0x93: {  	v62 =	vand.u32 $0x1, v39;
	vm6 =	vmand vm5, vm6;
	vm5 =	vmand vm3, vm1  }
0x94: {  	vm1 =	veq.s32 v62, $0x1;
	v62 =	vsel vm2, $0xFFFFFFFF, v2;
	vm2 =	vnez.u8 v10;
	v10 =	vld [tilespmem:$0x1FEB0];
	_ =	sdelay $0x1  }
0x95: {  	v58 =	vadd.s32 v20, v58;
	v20 =	vld [tilespmem:$0x1FF80];
	_ =	sdelay $0x2  }
0x96: {  	v63 =	vsel vm2, $0xFFFFFFFF, v2;
	vm2 =	vnez.u8 v10;
	v10 =	vld [tilespmem:$0x1FEC0]  }
0x97: {  	v11 =	vld [tilespmem:$0x1FED0]  }
0x98: {  	v20 =	vadd.s32 v20, v59  }
0x99: {  	v12 =	vld [tilespmem:$0x1FEE0];
	v21 =	vadd.s32 v21, v60;
	v23 =	vadd.s32 v23, v61;
	v17 =	vsel vm2, $0xFFFFFFFF, v2  }
0x9a: {  	v13 =	vld [tilespmem:$0x1FEF0];
	v22 =	vadd.s32 v22, v62;
	v27 =	vadd.s32 v27, v63;
	v17 =	vadd.s32 v25, v17  }
0x9b: {  	v25 =	vshrl.u32 v56, $0x7;
	v63 =	vshrl.u32 v17, $0x1;
	vm2 =	vnez.u8 v10  }
0x9c: {  	v14 =	vld [tilespmem:$0x1FF00];
	v17 =	vshll.u32 v17, $0x7;
	v10 =	vsel vm2, $0xFFFFFFFF, v2;
	vm2 =	vnez.u8 v11  }
0x9d: {  	v59 =	vand.u32 $0x3FFFFC, v63;
	v17 =	vand.u32 $0x380, v17;
	v11 =	vsel vm2, $0xFFFFFFFF, v2  }
0x9e: {  	vm2 =	vnez.u8 v12;
	v10 =	vadd.s32 v24, v10;
	v24 =	vshll.u32 v27, $0x7  }
0x9f: {  	v15 =	vld [tilespmem:$0x1FF10];
	v27 =	vshrl.u32 v27, $0x1;
	v12 =	vsel vm2, $0xFFFFFFFF, v2;
	vm2 =	vnez.u8 v13  }
0xa0: {  	v11 =	vadd.s32 v26, v11;
	v26 =	vshrl.u32 v57, $0x7;
	v27 =	vand.u32 $0x3FFFFC, v27  }
0xa1: {  	v24 =	vand.u32 $0x380, v24;
	v13 =	vsel vm2, $0xFFFFFFFF, v2;
	vm2 =	vnez.u8 v14  }
0xa2: {  	v16 =	vld [tilespmem:$0x1FF20];
	v12 =	vadd.s32 v28, v12;
	v28 =	vshrl.u32 v58, $0x7;
	v25 =	vadd.s32 v25, v27  }
0xa3: {  	v27 =	vshrl.u32 v11, $0x1;
	v26 =	vadd.s32 v26, v59;
	v11 =	vshll.u32 v11, $0x7  }
0xa4: {  	v14 =	vsel vm2, $0xFFFFFFFF, v2;
	vm2 =	vnez.u8 v15;
	v13 =	vadd.s32 v29, v13  }
0xa5: {  	v29 =	vshrl.u32 v20, $0x7;
	v60 =	vshrl.u32 v12, $0x1;
	v27 =	vand.u32 $0x3FFFFC, v27  }
0xa6: {  	v25 =	vshll.u32 v25, $0xA;
	v26 =	vshll.u32 v26, $0xA;
	v12 =	vshll.u32 v12, $0x7  }
0xa7: {  	v11 =	vand.u32 $0x380, v11;
	v15 =	vsel vm2, $0xFFFFFFFF, v2;
	vm2 =	vnez.u8 v16  }
0xa8: {  	v14 =	vadd.s32 v30, v14;
	v30 =	vshrl.u32 v21, $0x7;
	v27 =	vadd.s32 v28, v27  }
0xa9: {  	v28 =	vshrl.u32 v13, $0x1;
	v59 =	vand.u32 $0x3FFFFC, v60;
	v24 =	vor.u32 v24, v25  }
0xaa: {  	v17 =	vor.u32 v17, v26;
	v13 =	vshll.u32 v13, $0x7;
	v12 =	vand.u32 $0x380, v12  }
0xab: {  	v16 =	vsel vm2, $0xFFFFFFFF, v2;
	v15 =	vadd.s32 v31, v15;
	v31 =	vshrl.u32 v23, $0x7  }
0xac: {  	v29 =	vadd.s32 v29, v59;
	v61 =	vshrl.u32 v14, $0x1;
	v28 =	vand.u32 $0x3FFFFC, v28  }
0xad: {  	v25 =	vshll.u32 v27, $0xA;
	v13 =	vand.u32 $0x380, v13;
	v14 =	vshll.u32 v14, $0x7  }
0xae: {  	v16 =	vadd.s32 v41, v16;
	v41 =	vshrl.u32 v22, $0x7;
	v28 =	vadd.s32 v30, v28  }
0xaf: {  	v30 =	vshrl.u32 v15, $0x1;
	v59 =	vand.u32 $0x3FFFFC, v61;
	v11 =	vor.u32 v11, v25  }
0xb0: {  	v25 =	vshll.u32 v29, $0xA;
	v14 =	vand.u32 $0x380, v14;
	v15 =	vshll.u32 v15, $0x7  }
0xb1: {  	v31 =	vadd.s32 v31, v59;
	v30 =	vand.u32 $0x3FFFFC, v30;
	v26 =	vshll.u32 v28, $0xA  }
0xb2: {  	v12 =	vor.u32 v12, v25;
	v25 =	vand.u32 $0x70, v56;
	v15 =	vand.u32 $0x380, v15  }
0xb3: {  	v30 =	vadd.s32 v41, v30;
	v13 =	vor.u32 v13, v26;
	v26 =	vshll.u32 v31, $0xA  }
0xb4: {  	v24 =	vor.u32 v25, v24;
	v25 =	vand.u32 $0x70, v57;
	v14 =	vor.u32 v14, v26  }
0xb5: {  	v18 =	vld [tilespmem:$0x1FF30];
	v26 =	vshll.u32 v30, $0xA;
	v17 =	vor.u32 v25, v17;
	v25 =	vand.u32 $0x70, v20  }
0xb6: {  	v19 =	vld [tilespmem:$0x1FF40];
	v15 =	vor.u32 v15, v26;
	v12 =	vor.u32 v25, v12;
	v25 =	vand.u32 $0x70, v22  }
0xb7: {  	v15 =	vor.u32 v25, v15;
	v25 =	vld [tilespmem:$0x1FF90];
	_ =	sdelay $0x1  }
0xb8: {  	v62 =	vshrl.u32 v16, $0x1  }
0xb9: {  	v63 =	vshrl.u32 v10, $0x7;
	vm2 =	vnez.u8 v18;
	v59 =	vand.u32 $0x3FFFFC, v62  }
0xba: {  	v18 =	vsel vm2, $0xFFFFFFFF, v2;
	vm2 =	vnez.u8 v19;
	v41 =	vadd.s32 v63, v59  }
0xbb: {  	v16 =	vshll.u32 v16, $0x7;
	v27 =	vshll.u32 v41, $0xA;
	v41 =	vadd.s32 v25, v18;
	v18 =	vld [tilespmem:$0x1FFA0]  }
0xbc: {  	v16 =	vand.u32 $0x380, v16;
	v20 =	vand.u32 $0xF, v20;
	v26 =	vand.u32 $0x70, v58  }
0xbd: {  	v16 =	vor.u32 v16, v27;
	v27 =	vand.u32 $0x70, v21;
	v21 =	vand.u32 $0xF, v21;
	[tilespmem:s18+$0x1830] =	vst v20  }
0xbe: {  	v11 =	vor.u32 v26, v11;
	v26 =	vand.u32 $0x70, v23;
	v23 =	vand.u32 $0xF, v23;
	[tilespmem:s18+$0x1840] =	vst v21  }
0xbf: {  	v19 =	vsel vm2, $0xFFFFFFFF, v2;
	v25 =	vand.u32 $0xF, v58;
	[tilespmem:s18+$0x1850] =	vst v23  }
0xc0: {  	v14 =	vor.u32 v26, v14;
	[tilespmem:s18+$0x1820] =	vst v25;
	v60 =	vadd.s32 v18, v19;
	v18 =	vand.u32 $0xF, v56  }
0xc1: {  	v14 =	vshra.s32 v14, $0x4;
	v19 =	vand.u32 $0xF, v57;
	[tilespmem:s18+$0x1800] =	vst v18  }
0xc2: {  	[tilespmem:s18+$0x1810] =	vst v19;
	v19 =	vadd.s32 v1, v14;
	v14 =	vshra.s32 v15, $0x4  }
0xc3: {  	v61 =	vadd.s32 v1, v14;
	v14 =	vld [tilespmem:$0x1FFB0]  }
0xc4: {  	v54 =	vsel vm10, $0xFFFFFFFF, v2  }
0xc5: {  	v55 =	vsel vm14, $0xFFFFFFFF, v2;
	v52 =	vsel vm12, $0xFFFFFFFF, v2;
	v54 =	vadd.s32 v32, v54  }
0xc6: {  	v47 =	vsel vm11, $0xFFFFFFFF, v2;
	v53 =	vsel vm9, $0xFFFFFFFF, v2;
	v22 =	vand.u32 $0xF, v22  }
0xc7: {  	v51 =	vsel vm13, $0xFFFFFFFF, v2;
	vm3 =	veq.f32 v43, v50;
	v50 =	vsel vm15, $0xFFFFFFFF, v2;
	[tilespmem:s18+$0x1860] =	vst v22  }
0xc8: {  	v43 =	vsel vm8, $0xFFFFFFFF, v2;
	vm1 =	vmand vm3, vm1;
	v55 =	vadd.s32 v14, v55;
	v14 =	vld [tilespmem:$0x1FFC0]  }
0xc9: {  	v48 =	vsel vm7, $0xFFFFFFFF, v2;
	v49 =	vsel vm6, $0xFFFFFFFF, v2;
	v45 =	vsel vm5, $0xFFFFFFFF, v2  }
0xca: {  	v44 =	vsel vm4, $0xFFFFFFFF, v2;
	v42 =	vsel vm1, $0xFFFFFFFF, v2;
	v32 =	vadd.s32 v38, v45  }
0xcb: {  	v46 =	vsel vm0, $0xFFFFFFFF, v2;
	v29 =	vadd.s32 v34, v43;
	v28 =	vadd.s32 v36, v49  }
0xcc: {  	v43 =	vshll.u32 v29, $0x7;
	v31 =	vadd.s32 v37, v44;
	v45 =	vshll.u32 v28, $0x7  }
0xcd: {  	v30 =	vadd.s32 v35, v48;
	v17 =	vshra.s32 v17, $0x4;
	v50 =	vadd.s32 v14, v50;
	v14 =	vld [tilespmem:$0x1FFD0]  }
0xce: {  	v35 =	vshrl.u32 v54, $0x7;
	v44 =	vshll.u32 v30, $0x7;
	v17 =	vadd.s32 v1, v17  }
0xcf: {  	v12 =	vshra.s32 v12, $0x4;
	v13 =	vor.u32 v27, v13;
	v27 =	vand.u32 $0x70, v10  }
0xd0: {  	v10 =	vand.u32 $0xF, v10;
	v11 =	vshra.s32 v11, $0x4;
	v12 =	vadd.s32 v1, v12  }
0xd1: {  	v26 =	vadd.s32 v33, v53;
	v33 =	vadd.s32 v39, v42;
	v18 =	vshra.s32 v24, $0x4  }
0xd2: {  	v16 =	vor.u32 v27, v16;
	v18 =	vadd.s32 v1, v18;
	v51 =	vadd.s32 v14, v51;
	v14 =	vld [tilespmem:$0x1FFE0];
	[tilespmem:s18+$0x1870] =	vst v10  }
0xd3: {  	v11 =	vadd.s32 v1, v11;
	v13 =	vshra.s32 v13, $0x4;
	v27 =	vadd.s32 v40, v46;
	v10 =	vld [tilespmem:$0x1FFF0];
	[tilespmem:s18+$0x1000] =	vst v18  }
0xd4: {  	v42 =	vshll.u32 v26, $0x7;
	v46 =	vshll.u32 v31, $0x7;
	v49 =	vshll.u32 v33, $0x7;
	[tilespmem:s18+$0x1010] =	vst v17  }
0xd5: {  	v13 =	vadd.s32 v1, v13;
	v48 =	vshll.u32 v27, $0x7;
	v25 =	vand.u32 $0xF, v41;
	[tilespmem:s18+$0x1020] =	vst v11  }
0xd6: {  	v21 =	vand.u32 $0x70, v41;
	v36 =	vshrl.u32 v41, $0x7;
	v15 =	vshra.s32 v16, $0x4;
	[tilespmem:s18+$0x1030] =	vst v12  }
0xd7: {  	v24 =	vand.u32 $0xF, v60;
	v37 =	vshrl.u32 v60, $0x7;
	v62 =	vadd.s32 v1, v15;
	[tilespmem:s18+$0x1040] =	vst v13  }
0xd8: {  	v23 =	vand.u32 $0xF, v55;
	v40 =	vshrl.u32 v55, $0x7;
	v22 =	vand.u32 $0xF, v50;
	[tilespmem:s18+$0x1050] =	vst v19  }
0xd9: {  	v15 =	vand.u32 $0x70, v50;
	v38 =	vshrl.u32 v50, $0x7;
	v20 =	vand.u32 $0xF, v51;
	[tilespmem:s18+$0x1060] =	vst v61  }
0xda: {  	s19 =	simm.s32 $0x1000;
	v19 =	vand.u32 $0x70, v60;
	v17 =	vand.u32 $0x70, v55;
	v13 =	vand.u32 $0x70, v51;
	[tilespmem:s18+$0x1070] =	vst v62  }
0xdb: {  	v39 =	vshrl.u32 v51, $0x7;
	[tilespmem:s12], [sflag:$0x1] =	stream.indirect.gather [hbm4b:s1+s11], $0x10, s19, s11, $0xb8;
	v52 =	vadd.s32 v14, v52;
	v14 =	vand.u32 $0xF, v54;
	[tilespmem:$0x12010] =	vst v63  }
0xdc: {  	v63 =	vadd.s32 v10, v47;
	v18 =	vand.u32 $0xF, v52;
	v12 =	vand.u32 $0x70, v52  }
0xdd: {  	[tilespmem:s13], [sflag:$0x1] =	stream.indirect.gather [hbm4b:s2+s11], $0x10, s19, s11, $0xb8;
	v10 =	vand.u32 $0x70, v54;
	v47 =	vshll.u32 v32, $0x7;
	v41 =	vshrl.u32 v52, $0x7;
	[tilespmem:$0x12010] =	vst v63  }
0xde: {  	s20 =	simm.s32 $0x400;
	s18 =	simm.s32 $0xA000;
	s19 =	simm.s32 $0x2000;
	v16 =	vand.u32 $0xF, v63;
	v11 =	vand.u32 $0x70, v63;
	v34 =	vshrl.u32 v63, $0x7  }
.LBB2_2:
0xdf: {  	v26 =	vshrl.u32 v26, $0x1  }
0xe0: {  	v29 =	vshrl.u32 v29, $0x1;
	v30 =	vshrl.u32 v30, $0x1;
	v28 =	vshrl.u32 v28, $0x1  }
0xe1: {  	v31 =	vshrl.u32 v31, $0x1;
	v32 =	vshrl.u32 v32, $0x1;
	v42 =	vand.u32 $0x380, v42  }
0xe2: {  	v27 =	vshrl.u32 v27, $0x1;
	v33 =	vshrl.u32 v33, $0x1;
	v43 =	vand.u32 $0x380, v43  }
0xe3: {  	v44 =	vand.u32 $0x380, v44;
	v45 =	vand.u32 $0x380, v45;
	v46 =	vand.u32 $0x380, v46  }
0xe4: {  	v47 =	vand.u32 $0x380, v47;
	v48 =	vand.u32 $0x380, v48;
	v49 =	vand.u32 $0x380, v49  }
0xe5: {  	v26 =	vand.u32 $0x3FFFFC, v26;
	v29 =	vand.u32 $0x3FFFFC, v29;
	v30 =	vand.u32 $0x3FFFFC, v30  }
0xe6: {  	v28 =	vand.u32 $0x3FFFFC, v28;
	v31 =	vand.u32 $0x3FFFFC, v31;
	v32 =	vand.u32 $0x3FFFFC, v32  }
0xe7: {  	v27 =	vand.u32 $0x3FFFFC, v27;
	v33 =	vand.u32 $0x3FFFFC, v33;
	v26 =	vadd.s32 v36, v26  }
0xe8: {  	v29 =	vadd.s32 v37, v29;
	v30 =	vadd.s32 v40, v30;
	v28 =	vadd.s32 v38, v28  }
0xe9: {  	[tilespmem:s17+$0x1800] =	vst v25;
	v31 =	vadd.s32 v39, v31;
	v32 =	vadd.s32 v41, v32;
	v25 =	vadd.s32 v34, v27  }
0xea: {  	[tilespmem:s17+$0x1810] =	vst v24;
	v27 =	vadd.s32 v35, v33;
	v26 =	vshll.u32 v26, $0xA;
	v29 =	vshll.u32 v29, $0xA  }
0xeb: {  	s21 =	sshra.s32 s20, $0x2;
	[tilespmem:s17+$0x1820] =	vst v23;
	v24 =	vshll.u32 v30, $0xA;
	v28 =	vshll.u32 v28, $0xA;
	v23 =	vshll.u32 v31, $0xA  }
0xec: {  	v30 =	vshll.u32 v32, $0xA;
	v25 =	vshll.u32 v25, $0xA;
	v31 =	vld [tilespmem:s21+$0x0];
	[tilespmem:s17+$0x1830] =	vst v22;
	v22 =	vshll.u32 v27, $0xA  }
0xed: {  	v26 =	vor.u32 v42, v26;
	v29 =	vor.u32 v43, v29;
	v24 =	vor.u32 v44, v24  }
0xee: {  	v27 =	vld [tilespmem:s21+$0x10];
	v28 =	vor.u32 v45, v28;
	v23 =	vor.u32 v46, v23;
	[tilespmem:s17+$0x1840] =	vst v20;
	v21 =	vor.u32 v21, v26  }
0xef: {  	v20 =	vld [tilespmem:s21+$0x20];
	v26 =	vor.u32 v47, v30;
	[tilespmem:s17+$0x1850] =	vst v18;
	v18 =	vor.u32 v48, v25;
	v19 =	vor.u32 v19, v29  }
0xf0: {  	v17 =	vor.u32 v17, v24;
	v15 =	vor.u32 v15, v28;
	v13 =	vor.u32 v13, v23  }
0xf1: {  	v25 =	vld [tilespmem:s21+$0x30];
	v21 =	vshra.s32 v21, $0x4;
	[tilespmem:s17+$0x1860] =	vst v16;
	v16 =	vor.u32 v49, v22;
	v19 =	vshra.s32 v19, $0x4  }
0xf2: {  	v17 =	vshra.s32 v17, $0x4;
	v15 =	vshra.s32 v15, $0x4;
	v22 =	vld [tilespmem:s21+$0x40];
	v21 =	vadd.s32 v1, v21;
	[tilespmem:s17+$0x1870] =	vst v14  }
0xf3: {  	v13 =	vshra.s32 v13, $0x4;
	v12 =	vor.u32 v12, v26;
	v19 =	vadd.s32 v1, v19;
	v14 =	vld [tilespmem:s21+$0x50];
	[tilespmem:s17+$0x1000] =	vst v21  }
0xf4: {  	v11 =	vor.u32 v11, v18;
	v17 =	vadd.s32 v1, v17;
	v15 =	vadd.s32 v1, v15;
	v21 =	vld [tilespmem:s21+$0x60];
	[tilespmem:s17+$0x1010] =	vst v19  }
0xf5: {  	v13 =	vadd.s32 v1, v13;
	v12 =	vshra.s32 v12, $0x4;
	v11 =	vshra.s32 v11, $0x4;
	v19 =	vld [tilespmem:s21+$0x70];
	[tilespmem:s17+$0x1020] =	vst v17  }
0xf6: {  	v10 =	vor.u32 v10, v16;
	v12 =	vadd.s32 v1, v12;
	v11 =	vadd.s32 v1, v11;
	v17 =	vld [tilespmem:s21+$0x800];
	[tilespmem:s17+$0x1030] =	vst v15  }
0xf7: {  	v10 =	vshra.s32 v10, $0x4;
	v18 =	vmul.f32 $5.110000000e+02, v20;
	v15 =	vld [tilespmem:s21+$0x810];
	[tilespmem:s17+$0x1040] =	vst v13;
	v13 =	vmul.f32 $5.110000000e+02, v31  }
0xf8: {  	v10 =	vadd.s32 v1, v10;
	v22 =	vmul.f32 $5.110000000e+02, v22;
	v16 =	vld [tilespmem:s21+$0x820];
	[tilespmem:s17+$0x1050] =	vst v12;
	v12 =	vmul.f32 $5.110000000e+02, v27  }
0xf9: {  	v18 =	vadd.f32 $5.000000000e-01, v18;
	v14 =	vmul.f32 $5.110000000e+02, v14;
	v20 =	vld [tilespmem:s21+$0x830];
	[tilespmem:s17+$0x1060] =	vst v11;
	v11 =	vmul.f32 $5.110000000e+02, v25  }
0xfa: {  	v21 =	vmul.f32 $5.110000000e+02, v21;
	v13 =	vadd.f32 $5.000000000e-01, v13;
	v22 =	vadd.f32 $5.000000000e-01, v22  }
0xfb: {  	v28 =	vtrunc.f32 v18;
	v19 =	vmul.f32 $5.110000000e+02, v19;
	v11 =	vadd.f32 $5.000000000e-01, v11  }
0xfc: {  	s22 =	sadd.s32 $0x1000, s17;
	s19 =	sadd.s32 $0x800, s19;
	v23 =	vld [tilespmem:s21+$0x840];
	[tilespmem:s17+$0x1070] =	vst v10;
	v12 =	vadd.f32 $5.000000000e-01, v12;
	v14 =	vadd.f32 $5.000000000e-01, v14;
	vm0 =	veq.f32 v18, v28  }
0xfd: {  	[tilespmem:s19], [sflag:$0x1] =	stream.indirect.gather [hbm4b:s1+s11], $0x10, s22, s11, $0xb8;
	v17 =	vmul.f32 $5.110000000e+02, v17;
	v21 =	vadd.f32 $5.000000000e-01, v21;
	v29 =	vtrunc.f32 v11;
	[tilespmem:$0x12010] =	vst v63  }
0xfe: {  	s18 =	sadd.s32 $0x800, s18;
	s17 =	smov.u32 s21;
	v26 =	vtrunc.f32 v13;
	v10 =	vld [tilespmem:s21+$0x850];
	vm10 =	veq.f32 v11, v29;
	v11 =	vimm.s32 $0x0  }
0xff: {  	v30 =	vtrunc.f32 v22;
	v24 =	vld [tilespmem:s17+$0x860];
	v15 =	vmul.f32 $5.110000000e+02, v15;
	[tilespmem:s18], [sflag:$0x1] =	stream.indirect.gather [hbm4b:s2+s11], $0x10, s22, s11, $0xb8;
	v11 =	vsel vm10, $0xFFFFFFFF, v11  }
0x100: {  	v19 =	vadd.f32 $5.000000000e-01, v19;
	vm11 =	veq.f32 v22, v30;
	v25 =	vld [tilespmem:s17+$0x870];
	[tilespmem:$0x1FD40] =	vst v11;
	v11 =	vimm.s32 $0x0  }
0x101: {  	v31 =	vtrunc.f32 v14;
	v17 =	vadd.f32 $5.000000000e-01, v17;
	v11 =	vsel vm11, $0xFFFFFFFF, v11  }
0x102: {  	v27 =	vtrunc.f32 v12;
	vm12 =	veq.f32 v14, v31;
	[tilespmem:$0x1FD50] =	vst v11;
	v11 =	vimm.s32 $0x0  }
0x103: {  	v53 =	vtrunc.f32 v21;
	v55 =	vtrunc.f32 v17;
	v11 =	vsel vm12, $0xFFFFFFFF, v11  }
0x104: {  	vm13 =	veq.f32 v17, v55;
	v24 =	vmul.f32 $5.110000000e+02, v24;
	[tilespmem:$0x1FD60] =	vst v11;
	v11 =	vimm.s32 $0x0  }
0x105: {  	v54 =	vtrunc.f32 v19;
	v25 =	vmul.f32 $5.110000000e+02, v25;
	v11 =	vsel vm13, $0xFFFFFFFF, v11  }
0x106: {  	vm4 =	veq.f32 v21, v53;
	v24 =	vadd.f32 $5.000000000e-01, v24;
	[tilespmem:$0x1FD90] =	vst v11;
	v11 =	vimm.s32 $0x0  }
0x107: {  	vm5 =	veq.f32 v19, v54;
	v25 =	vadd.f32 $5.000000000e-01, v25;
	v11 =	vsel vm4, $0xFFFFFFFF, v11  }
0x108: {  	v19 =	vcvt.f32.s32 v55;
	v61 =	vtrunc.f32 v24;
	[tilespmem:$0x1FD70] =	vst v11;
	v11 =	vimm.s32 $0x0  }
0x109: {  	vm11 =	veq.f32 v24, v61;
	v62 =	vtrunc.f32 v25;
	v11 =	vsel vm5, $0xFFFFFFFF, v11  }
0x10a: {  	v24 =	vimm.s32 $0x0;
	vm12 =	veq.f32 v25, v62;
	[tilespmem:$0x1FD80] =	vst v11;
	v11 =	vcvt.f32.s32 v26  }
0x10b: {  	vm15 =	veq.f32 v12, v27;
	v12 =	vimm.s32 $0x0;
	v24 =	vsel vm12, $0xFFFFFFFF, v24  }
0x10c: {  	v12 =	vsel vm0, $0xFFFFFFFF, v12;
	v63 =	vand.u32 $0x1, v19;
	[tilespmem:$0x1FE10] =	vst v24;
	v24 =	vand.u32 $0x1, v11  }
0x10d: {  	vm2 =	veq.s32 v63, $0x1;
	vm0 =	veq.s32 v24, $0x1;
	v24 =	vimm.s32 $0x0  }
0x10e: {  	[tilespmem:$0x1FD30] =	vst v12;
	v24 =	vsel vm2, $0xFFFFFFFF, v24  }
0x10f: {  	v15 =	vadd.f32 $5.000000000e-01, v15;
	[tilespmem:$0x1FDA0] =	vst v24;
	v24 =	vld [tilespmem:$0x1FD30]  }
0x110: {  	v12 =	vcvt.f32.s32 v27  }
0x111: {  	vm14 =	veq.f32 v13, v26;
	v56 =	vtrunc.f32 v15  }
0x112: {  	v13 =	vimm.s32 $0x0;
	vm6 =	veq.f32 v15, v56;
	v26 =	vand.u32 $0x1, v12  }
0x113: {  	v16 =	vmul.f32 $5.110000000e+02, v16;
	v13 =	vsel vm6, $0xFFFFFFFF, v13;
	vm1 =	veq.s32 v26, $0x1  }
0x114: {  	vm0 =	vmand vm14, vm0;
	vm14 =	vmand vm15, vm1;
	vm15 =	vnez.u8 v24;
	v24 =	vld [tilespmem:$0x1FD40]  }
0x115: {  	v16 =	vadd.f32 $5.000000000e-01, v16;
	[tilespmem:$0x1FDB0] =	vst v13;
	v13 =	vcvt.f32.s32 v28  }
0x116: {  	v22 =	vimm.s32 $0x0;
	v14 =	vimm.s32 $0x0  }
0x117: {  	v20 =	vmul.f32 $5.110000000e+02, v20;
	v57 =	vtrunc.f32 v16;
	v27 =	vand.u32 $0x1, v13  }
0x118: {  	vm7 =	veq.f32 v16, v57;
	v22 =	vsel vm11, $0xFFFFFFFF, v22;
	vm11 =	veq.s32 v27, $0x1  }
0x119: {  	v14 =	vsel vm7, $0xFFFFFFFF, v14;
	vm11 =	vmand vm15, vm11;
	vm15 =	vnez.u8 v24;
	v24 =	vld [tilespmem:$0x1FD50]  }
0x11a: {  	v20 =	vadd.f32 $5.000000000e-01, v20;
	[tilespmem:$0x1FDC0] =	vst v14;
	v14 =	vcvt.f32.s32 v29;
	_ =	sdelay $0x1  }
0x11b: {  	v58 =	vtrunc.f32 v20;
	v28 =	vand.u32 $0x1, v14  }
0x11c: {  	v15 =	vimm.s32 $0x0;
	vm8 =	veq.f32 v20, v58;
	vm4 =	veq.s32 v28, $0x1  }
0x11d: {  	v15 =	vsel vm8, $0xFFFFFFFF, v15;
	vm4 =	vmand vm15, vm4;
	vm15 =	vnez.u8 v24;
	v24 =	vld [tilespmem:$0x1FD60]  }
0x11e: {  	[tilespmem:$0x1FDD0] =	vst v15;
	v15 =	vcvt.f32.s32 v30;
	_ =	sdelay $0x1  }
0x11f: {  	v29 =	vand.u32 $0x1, v15  }
0x120: {  	v23 =	vmul.f32 $5.110000000e+02, v23;
	vm5 =	veq.s32 v29, $0x1  }
0x121: {  	vm5 =	vmand vm15, vm5;
	vm15 =	vnez.u8 v24;
	v24 =	vld [tilespmem:$0x1FD70]  }
0x122: {  	v23 =	vadd.f32 $5.000000000e-01, v23;
	v16 =	vcvt.f32.s32 v31;
	_ =	sdelay $0x1  }
0x123: {  	v59 =	vtrunc.f32 v23;
	v30 =	vand.u32 $0x1, v16  }
0x124: {  	v17 =	vimm.s32 $0x0;
	vm9 =	veq.f32 v23, v59;
	vm12 =	veq.s32 v30, $0x1  }
0x125: {  	v17 =	vsel vm9, $0xFFFFFFFF, v17;
	vm12 =	vmand vm15, vm12;
	vm15 =	vnez.u8 v24;
	v24 =	vld [tilespmem:$0x1FD80]  }
0x126: {  	[tilespmem:$0x1FDE0] =	vst v17;
	v17 =	vcvt.f32.s32 v53  }
0x127: {  	v18 =	vcvt.f32.s32 v54  }
0x128: {  	v31 =	vand.u32 $0x1, v17  }
0x129: {  	v45 =	vand.u32 $0x1, v18;
	vm2 =	veq.s32 v31, $0x1  }
0x12a: {  	vm3 =	veq.s32 v45, $0x1;
	vm2 =	vmand vm15, vm2;
	vm15 =	vnez.u8 v24  }
0x12b: {  	v24 =	vimm.s32 $0x0;
	vm3 =	vmand vm15, vm3  }
0x12c: {  	v24 =	vsel vm3, $0xFFFFFFFF, v24  }
0x12d: {  	[tilespmem:$0x1FE20] =	vst v24;
	v24 =	vld [tilespmem:$0x1FD90];
	_ =	sdelay $0x4  }
0x12e: {  	vm3 =	vnez.u8 v24;
	v24 =	vld [tilespmem:$0x1FDA0];
	_ =	sdelay $0x1  }
0x12f: {  	v10 =	vmul.f32 $5.110000000e+02, v10;
	_ =	sdelay $0x1  }
0x130: {  	v10 =	vadd.f32 $5.000000000e-01, v10  }
0x131: {  	v20 =	vcvt.f32.s32 v56;
	vm15 =	vnez.u8 v24;
	v24 =	vld [tilespmem:$0x1FDB0]  }
0x132: {  	v21 =	vcvt.f32.s32 v58;
	v60 =	vtrunc.f32 v10  }
0x133: {  	v44 =	vand.u32 $0x1, v20;
	vm10 =	veq.f32 v10, v60;
	v10 =	vimm.s32 $0x0  }
0x134: {  	v37 =	vand.u32 $0x1, v21;
	v23 =	vcvt.f32.s32 v60;
	v10 =	vsel vm10, $0xFFFFFFFF, v10  }
0x135: {  	vm6 =	veq.s32 v44, $0x1;
	vm10 =	veq.s32 v37, $0x1;
	[tilespmem:$0x1FDF0] =	vst v10;
	v10 =	vcvt.f32.s32 v57  }
0x136: {  	[tilespmem:$0x1FE00] =	vst v22;
	v22 =	vcvt.f32.s32 v59;
	vm15 =	vmand vm3, vm15;
	vm3 =	vnez.u8 v24;
	v24 =	vld [tilespmem:$0x1FDC0]  }
0x137: {  	v25 =	vcvt.f32.s32 v61;
	v33 =	vcvt.f32.s32 v62;
	v39 =	vand.u32 $0x1, v23  }
0x138: {  	vm9 =	veq.s32 v39, $0x1;
	v36 =	vand.u32 $0x1, v10;
	v38 =	vand.u32 $0x1, v22  }
0x139: {  	v40 =	vand.u32 $0x1, v25;
	v41 =	vand.u32 $0x1, v33;
	vm7 =	veq.s32 v36, $0x1  }
0x13a: {  	vm8 =	veq.s32 v38, $0x1;
	vm13 =	veq.s32 v40, $0x1;
	v27 =	vsel vm11, $0xFFFFFFFF, v2  }
0x13b: {  	v28 =	vsel vm4, $0xFFFFFFFF, v2;
	vm6 =	vmand vm3, vm6;
	vm3 =	vnez.u8 v24;
	v24 =	vld [tilespmem:$0x1FDD0]  }
0x13c: {  	vm1 =	veq.s32 v41, $0x1;
	v51 =	vadd.s32 v13, v27;
	v52 =	vadd.s32 v14, v28;
	v56 =	vld [tilespmem:$0x1FE20]  }
0x13d: {  	v40 =	vshrl.u32 v51, $0x7;
	v38 =	vshrl.u32 v52, $0x7;
	v29 =	vsel vm5, $0xFFFFFFFF, v2  }
0x13e: {  	v53 =	vadd.s32 v15, v29;
	v15 =	vand.u32 $0x70, v52;
	v30 =	vsel vm12, $0xFFFFFFFF, v2  }
0x13f: {  	v13 =	vand.u32 $0x70, v53;
	v39 =	vshrl.u32 v53, $0x7;
	v54 =	vadd.s32 v16, v30  }
0x140: {  	v41 =	vshrl.u32 v54, $0x7;
	vm7 =	vmand vm3, vm7;
	vm3 =	vnez.u8 v24;
	v24 =	vld [tilespmem:$0x1FDE0]  }
0x141: {  	v31 =	vsel vm2, $0xFFFFFFFF, v2;
	v46 =	vsel vm15, $0xFFFFFFFF, v2;
	vm15 =	vnez.u8 v56  }
0x142: {  	v55 =	vadd.s32 v17, v31;
	v17 =	vand.u32 $0x70, v51;
	v35 =	vsel vm15, $0xFFFFFFFF, v2  }
0x143: {  	v16 =	vand.u32 $0xF, v55;
	v34 =	vshrl.u32 v55, $0x7;
	v35 =	vadd.s32 v18, v35  }
0x144: {  	v18 =	vand.u32 $0xF, v54;
	v14 =	vand.u32 $0xF, v35;
	v47 =	vsel vm6, $0xFFFFFFFF, v2  }
0x145: {  	v29 =	vadd.s32 v20, v47;
	vm10 =	vmand vm3, vm10;
	vm3 =	vnez.u8 v24;
	v24 =	vld [tilespmem:$0x1FDF0]  }
0x146: {  	v26 =	vld [tilespmem:$0x1FE00];
	v20 =	vand.u32 $0xF, v53;
	v43 =	vshll.u32 v29, $0x7;
	v57 =	vsel vm7, $0xFFFFFFFF, v2  }
0x147: {  	v30 =	vadd.s32 v10, v57;
	v10 =	vand.u32 $0x70, v35;
	v58 =	vsel vm10, $0xFFFFFFFF, v2  }
0x148: {  	v35 =	vshrl.u32 v35, $0x7;
	v28 =	vadd.s32 v21, v58;
	vm8 =	vmand vm3, vm8  }
0x149: {  	v44 =	vshll.u32 v30, $0x7;
	v45 =	vshll.u32 v28, $0x7;
	v59 =	vsel vm8, $0xFFFFFFFF, v2  }
0x14a: {  	v31 =	vadd.s32 v22, v59;
	v22 =	vand.u32 $0xF, v52;
	vm3 =	vnez.u8 v24  }
0x14b: {  	v24 =	vsel vm0, $0xFFFFFFFF, v2;
	vm0 =	vnez.u8 v26;
	v26 =	vld [tilespmem:$0x1FE10];
	vm9 =	vmand vm3, vm9  }
0x14c: {  	vm0 =	vmand vm0, vm13;
	v63 =	vadd.s32 v11, v24;
	v11 =	vand.u32 $0x70, v55  }
0x14d: {  	v60 =	vsel vm9, $0xFFFFFFFF, v2;
	v61 =	vsel vm0, $0xFFFFFFFF, v2;
	v21 =	vand.u32 $0x70, v63  }
0x14e: {  	v36 =	vshrl.u32 v63, $0x7;
	v32 =	vadd.s32 v23, v60;
	v27 =	vadd.s32 v25, v61  }
0x14f: {  	p0 =	sne.s32 s20, $0x1E00;
	v25 =	vand.u32 $0xF, v63;
	v23 =	vand.u32 $0xF, v51;
	v47 =	vshll.u32 v32, $0x7  }
.Ltmp0:
0x150: {  	v48 =	vshll.u32 v27, $0x7;
	vm13 =	vnez.u8 v26;
	v26 =	vsel vm14, $0xFFFFFFFF, v2;
	(pc) =	sbr.rel @p0 .LBB2_2-.Ltmp0, $4  }
0x151: {  	vm1 =	vmand vm13, vm1;
	v50 =	vadd.s32 v12, v26;
	v26 =	vadd.s32 v19, v46  }
0x152: {  	v12 =	vand.u32 $0x70, v54;
	v46 =	vshll.u32 v31, $0x7;
	v62 =	vsel vm1, $0xFFFFFFFF, v2  }
0x153: {  	v24 =	vand.u32 $0xF, v50;
	v19 =	vand.u32 $0x70, v50;
	v33 =	vadd.s32 v33, v62  }
0x154: {  	s20 =	sadd.s32 $0x200, s20;
	v42 =	vshll.u32 v26, $0x7;
	v37 =	vshrl.u32 v50, $0x7;
	v49 =	vshll.u32 v33, $0x7  }
0x155: {  	v26 =	vshrl.u32 v26, $0x1;
	v29 =	vshrl.u32 v29, $0x1;
	v30 =	vshrl.u32 v30, $0x1  }
0x156: {  	v28 =	vshrl.u32 v28, $0x1;
	v31 =	vshrl.u32 v31, $0x1;
	v32 =	vshrl.u32 v32, $0x1  }
0x157: {  	v42 =	vand.u32 $0x380, v42;
	v27 =	vshrl.u32 v27, $0x1;
	v33 =	vshrl.u32 v33, $0x1  }
0x158: {  	v43 =	vand.u32 $0x380, v43;
	v44 =	vand.u32 $0x380, v44;
	v45 =	vand.u32 $0x380, v45  }
0x159: {  	v46 =	vand.u32 $0x380, v46;
	v47 =	vand.u32 $0x380, v47;
	v48 =	vand.u32 $0x380, v48  }
0x15a: {  	v49 =	vand.u32 $0x380, v49;
	v26 =	vand.u32 $0x3FFFFC, v26;
	v29 =	vand.u32 $0x3FFFFC, v29  }
0x15b: {  	v30 =	vand.u32 $0x3FFFFC, v30;
	v28 =	vand.u32 $0x3FFFFC, v28;
	v31 =	vand.u32 $0x3FFFFC, v31  }
0x15c: {  	v32 =	vand.u32 $0x3FFFFC, v32;
	v27 =	vand.u32 $0x3FFFFC, v27;
	v33 =	vand.u32 $0x3FFFFC, v33  }
0x15d: {  	v26 =	vadd.s32 v36, v26;
	v29 =	vadd.s32 v37, v29;
	v30 =	vadd.s32 v40, v30  }
0x15e: {  	v28 =	vadd.s32 v38, v28;
	v31 =	vadd.s32 v39, v31;
	v32 =	vadd.s32 v41, v32  }
0x15f: {  	[tilespmem:s17+$0x1800] =	vst v25;
	v59 =	vadd.s32 v34, v27;
	v60 =	vadd.s32 v35, v33;
	v26 =	vshll.u32 v26, $0xA  }
0x160: {  	[tilespmem:s17+$0x1810] =	vst v24;
	v29 =	vshll.u32 v29, $0xA;
	v61 =	vshll.u32 v30, $0xA;
	v28 =	vshll.u32 v28, $0xA  }
0x161: {  	[tilespmem:s17+$0x1820] =	vst v23;
	v62 =	vshll.u32 v31, $0xA;
	v63 =	vshll.u32 v32, $0xA;
	v25 =	vshll.u32 v59, $0xA  }
0x162: {  	[tilespmem:s17+$0x1830] =	vst v22;
	v33 =	vshll.u32 v60, $0xA;
	v26 =	vor.u32 v42, v26;
	v29 =	vor.u32 v43, v29  }
0x163: {  	[tilespmem:s17+$0x1840] =	vst v20;
	v24 =	vor.u32 v44, v61;
	v34 =	vor.u32 v45, v28;
	v23 =	vor.u32 v46, v62  }
0x164: {  	[tilespmem:s17+$0x1850] =	vst v18;
	v36 =	vor.u32 v47, v63;
	v37 =	vor.u32 v48, v25;
	v35 =	vor.u32 v21, v26  }
0x165: {  	[tilespmem:s17+$0x1860] =	vst v16;
	v38 =	vor.u32 v49, v33;
	v19 =	vor.u32 v19, v29;
	v20 =	vshra.s32 v35, $0x4  }
0x166: {  	[tilespmem:s17+$0x1870] =	vst v14;
	v13 =	vor.u32 v13, v23;
	v19 =	vshra.s32 v19, $0x4;
	v20 =	vadd.s32 v1, v20  }
0x167: {  	v12 =	vor.u32 v12, v36;
	v13 =	vshra.s32 v13, $0x4;
	v14 =	vadd.s32 v1, v19;
	[tilespmem:s17+$0x1000] =	vst v20  }
0x168: {  	v11 =	vor.u32 v11, v37;
	v12 =	vshra.s32 v12, $0x4;
	v13 =	vadd.s32 v1, v13;
	[tilespmem:s17+$0x1010] =	vst v14  }
0x169: {  	v10 =	vor.u32 v10, v38;
	v11 =	vshra.s32 v11, $0x4;
	v12 =	vadd.s32 v1, v12;
	[tilespmem:s17+$0x1040] =	vst v13  }
0x16a: {  	v17 =	vor.u32 v17, v24;
	v10 =	vshra.s32 v10, $0x4;
	v11 =	vadd.s32 v1, v11;
	[tilespmem:s17+$0x1050] =	vst v12  }
0x16b: {  	v15 =	vor.u32 v15, v34;
	v17 =	vshra.s32 v17, $0x4;
	v10 =	vadd.s32 v1, v10;
	[tilespmem:s17+$0x1060] =	vst v11  }
0x16c: {  	v15 =	vshra.s32 v15, $0x4;
	v14 =	vadd.s32 v1, v17;
	[tilespmem:s17+$0x1070] =	vst v10  }
0x16d: {  	[tilespmem:s17+$0x1020] =	vst v14;
	v14 =	vadd.s32 v1, v15  }
0x16e: {  	s20 =	sadd.s32 $0x1000, s17;
	s19 =	sadd.s32 $0x800, s19;
	[tilespmem:s17+$0x1030] =	vst v14  }
0x16f: {  	[tilespmem:s19], [sflag:$0x1] =	stream.indirect.gather [hbm4b:s1+s11], $0x10, s20, s11, $0xb8;
	[tilespmem:$0x12010] =	vst v63  }
0x170: {  	s29 =	sadd.s32 $0x800, s18  }
0x171: {  	[tilespmem:s29], [sflag:$0x1] =	stream.indirect.gather [hbm4b:s2+s11], $0x10, s20, s11, $0xb8;
	[tilespmem:$0x12010] =	vst v63  }
0x172: {  	_ =	swait.ge [sflag:s5], $0x800  }
0x173: {  	[sflag:s5] =	ssyncset.done $0x0  }
0x174: {  	[sflag:s5] =	ssyncadd.s32 $0xFFFFF800  }
0x175: {  	_ =	swait.ge [sflag:s5], $0x800  }
0x176: {  	[sflag:s5] =	ssyncset.done $0x0  }
0x177: {  	s30 =	simm.s32 $0x1840;
	[sflag:s5] =	ssyncadd.s32 $0xFFFFF800  }
0x178: {  	v10 =	vld [tilespmem:s30+$0xFFFFFFC0];
	_ =	sdelay $0x1  }
0x179: {  	s31 =	simm.s32 $0x0;
	v15 =	vld [tilespmem:s30+$0xFFFFFFE0]  }
0x17a: {  	v12 =	vmov s31;
	v11 =	vld [tilespmem:s30+$0xFFFFFFD0]  }
0x17b: {  	v12 =	vshll.u32 v12, $0x4;
	v39 =	vld [tilespmem:s30+$0xFFFFFFF0]  }
0x17c: {  	v14 =	vor.u32 v0, v12;
	v41 =	vor.u32 v8, v12;
	v13 =	vand.u32 $0xFFFFFFF8, v10  }
0x17d: {  	v45 =	vor.u32 v7, v12;
	v10 =	vand.u32 $0x7, v10;
	v13 =	vadd.s32 v14, v13  }
0x17e: {  	v42 =	vld [tilespmem:s30+$0x10];
	v40 =	vand.u32 $0xFFFFFFF8, v15;
	v15 =	vand.u32 $0x7, v15;
	v10 =	vor.u32 v10, v13  }
0x17f: {  	v51 =	vld [tilespmem:s30+$0x20];
	v14 =	vor.u32 v9, v12;
	v17 =	vadd.s32 v41, v40;
	v13 =	vand.u32 $0xFFFFFFF8, v11  }
0x180: {  	v44 =	vand.u32 $0xFFFFFFF8, v39;
	v15 =	vor.u32 v15, v17;
	v13 =	vadd.s32 v14, v13;
	v14 =	vld [tilespmem:s30+$0x30]  }
0x181: {  	v16 =	vand.u32 $0x7, v39;
	v11 =	vand.u32 $0x7, v11;
	v17 =	vadd.s32 v45, v44  }
0x182: {  	v16 =	vor.u32 v16, v17;
	v11 =	vor.u32 v11, v13;
	v13 =	vld [tilespmem:s30+$0x0]  }
0x183: {  	v46 =	vor.u32 v6, v12;
	v50 =	vor.u32 v3, v12;
	v52 =	vor.u32 v5, v12;
	v43 =	vld.idx.msk [tilespmem:v10+s12+$0x0], $0xffff  }
0x184: {  	v53 =	vand.u32 $0xFFFFFFF8, v42;
	v58 =	vand.u32 $0xFFFFFFF8, v51;
	v12 =	vor.u32 v4, v12;
	v10 =	vld.idx.msk [tilespmem:v10+s13+$0x0], $0xffff  }
0x185: {  	v22 =	vand.u32 $0x7, v51;
	v12 =	vadd.s32 v12, v58;
	v54 =	vld.idx.msk [tilespmem:v15+s12+$0x0], $0xffff;
	v48 =	vand.u32 $0xFFFFFFF8, v14  }
0x186: {  	v12 =	vor.u32 v22, v12;
	v15 =	vld.idx.msk [tilespmem:v15+s13+$0x0], $0xffff;
	v14 =	vand.u32 $0x7, v14;
	v17 =	vadd.s32 v50, v48  }
0x187: {  	v55 =	vand.u32 $0x7, v42;
	v56 =	vadd.s32 v52, v53;
	v57 =	vld.idx.msk [tilespmem:v16+s12+$0x0], $0xffff;
	v14 =	vor.u32 v14, v17  }
0x188: {  	v47 =	vld.idx.msk [tilespmem:v11+s12+$0x0], $0xffff;
	v49 =	vand.u32 $0xFFFFFFF8, v13;
	v17 =	vor.u32 v55, v56  }
0x189: {  	v13 =	vand.u32 $0x7, v13;
	v11 =	vld.idx.msk [tilespmem:v11+s13+$0x0], $0xffff;
	v20 =	vadd.s32 v46, v49  }
0x18a: {  	v16 =	vld.idx.msk [tilespmem:v16+s13+$0x0], $0xffff;
	v13 =	vor.u32 v13, v20  }
0x18b: {  	v63 =	vld.idx.msk [tilespmem:v12+s12+$0x0], $0xffff  }
0x18c: {  	v10 =	vsub.f32 v43, v10;
	v60 =	vld.idx.msk [tilespmem:v14+s12+$0x0], $0xffff  }
0x18d: {  	v61 =	vld.idx.msk [tilespmem:v17+s12+$0x0], $0xffff  }
0x18e: {  	v10 =	vmul.f32 v10, v10;
	v11 =	vsub.f32 v47, v11;
	v17 =	vld.idx.msk [tilespmem:v17+s13+$0x0], $0xffff  }
0x18f: {  	v62 =	vimm.f32 $0.0e+00;
	v59 =	vld.idx.msk [tilespmem:v13+s12+$0x0], $0xffff  }
0x190: {  	v15 =	vsub.f32 v54, v15;
	v13 =	vld.idx.msk [tilespmem:v13+s13+$0x0], $0xffff;
	v10 =	vadd.f32 v10, v62;
	v11 =	vmul.f32 v11, v11  }
0x191: {  	v14 =	vld.idx.msk [tilespmem:v14+s13+$0x0], $0xffff  }
0x192: {  	v22 =	vld.idx.msk [tilespmem:v12+s13+$0x0], $0xffff;
	v12 =	vsub.f32 v57, v16;
	_ =	swait.ge [sflag:s5], $0x800;
	v10 =	vadd.f32 v11, v10;
	v11 =	vmul.f32 v15, v15  }
0x193: {  	[sflag:s5] =	ssyncset.done $0x0  }
0x194: {  	[sflag:s5] =	ssyncadd.s32 $0xFFFFF800;
	v10 =	vadd.f32 v11, v10;
	v11 =	vmul.f32 v12, v12  }
0x195: {  	_ =	swait.ge [sflag:s5], $0x800;
	v15 =	vsub.f32 v61, v17;
	v12 =	vsub.f32 v59, v13  }
0x196: {  	s18 =	simm.s32 $0x80;
	[sflag:s5] =	ssyncset.done $0x0;
	v11 =	vadd.f32 v11, v10;
	v10 =	vsub.f32 v60, v14  }
0x197: {  	s17 =	simm.s32 $0x18C0;
	s19 =	simm.s32 $0x100;
	[sflag:s5] =	ssyncadd.s32 $0xFFFFF800;
	v14 =	vsub.f32 v63, v22;
	v13 =	vmul.f32 v12, v12;
	v12 =	vmul.f32 v15, v15  }
.LBB2_4:
0x198: {  	p0 =	sne.s32 s19, $0x780;
	v15 =	vld [tilespmem:s17+$0xFFFFFFC0];
	s20 =	smov.u32 s19;
	s19 =	sadd.s32 $0x80, s19  }
0x199: {  	v11 =	vadd.f32 v13, v11;
	v13 =	vmul.f32 v14, v14  }
0x19a: {  	v14 =	vld [tilespmem:s17+$0xFFFFFFD0]  }
0x19b: {  	v16 =	vmov s18;
	s18 =	smov.u32 s20;
	v11 =	vadd.f32 v12, v11  }
0x19c: {  	v10 =	vmul.f32 v10, v10;
	v12 =	vshll.u32 v16, $0x4  }
0x19d: {  	v17 =	vor.u32 v0, v12;
	v16 =	vand.u32 $0xFFFFFFF8, v15;
	v18 =	vld [tilespmem:s17+$0xFFFFFFE0];
	v11 =	vadd.f32 v13, v11  }
0x19e: {  	v13 =	vand.u32 $0x7, v15;
	v15 =	vadd.s32 v17, v16;
	v16 =	vor.u32 v9, v12  }
0x19f: {  	v13 =	vor.u32 v13, v15;
	v15 =	vand.u32 $0xFFFFFFF8, v14;
	v17 =	vld [tilespmem:s17+$0xFFFFFFF0];
	v10 =	vadd.f32 v10, v11  }
0x1a0: {  	v11 =	vand.u32 $0x7, v14;
	v14 =	vadd.s32 v16, v15  }
0x1a1: {  	v11 =	vor.u32 v11, v14;
	v14 =	vld [tilespmem:s17+$0x30]  }
0x1a2: {  	v16 =	vor.u32 v8, v12;
	v15 =	vand.u32 $0xFFFFFFF8, v18;
	v19 =	vld [tilespmem:s17+$0x0]  }
0x1a3: {  	v20 =	vor.u32 v5, v12;
	v18 =	vand.u32 $0x7, v18;
	v15 =	vadd.s32 v16, v15;
	v16 =	vld [tilespmem:s17+$0x10]  }
0x1a4: {  	v22 =	vor.u32 v7, v12;
	v21 =	vld.idx.msk [tilespmem:v13+s12+$0x0], $0xffff;
	v15 =	vor.u32 v18, v15;
	v18 =	vand.u32 $0xFFFFFFF8, v17  }
0x1a5: {  	v17 =	vand.u32 $0x7, v17;
	v13 =	vld.idx.msk [tilespmem:v13+s13+$0x0], $0xffff;
	v18 =	vadd.s32 v22, v18;
	v22 =	vor.u32 v6, v12  }
0x1a6: {  	v24 =	vor.u32 v3, v12;
	v23 =	vld.idx.msk [tilespmem:v11+s12+$0x0], $0xffff;
	v17 =	vor.u32 v17, v18;
	v18 =	vand.u32 $0xFFFFFFF8, v14  }
0x1a7: {  	v14 =	vand.u32 $0x7, v14;
	v11 =	vld.idx.msk [tilespmem:v11+s13+$0x0], $0xffff;
	v25 =	vand.u32 $0xFFFFFFF8, v19;
	v18 =	vadd.s32 v24, v18  }
0x1a8: {  	v19 =	vand.u32 $0x7, v19;
	v22 =	vadd.s32 v22, v25;
	v24 =	vand.u32 $0xFFFFFFF8, v16;
	v25 =	vld [tilespmem:s17+$0x20]  }
0x1a9: {  	v16 =	vand.u32 $0x7, v16;
	v26 =	vld.idx.msk [tilespmem:v15+s12+$0x0], $0xffff;
	v19 =	vor.u32 v19, v22;
	v20 =	vadd.s32 v20, v24  }
0x1aa: {  	v14 =	vor.u32 v14, v18;
	v15 =	vld.idx.msk [tilespmem:v15+s13+$0x0], $0xffff;
	v16 =	vor.u32 v16, v20  }
0x1ab: {  	v13 =	vsub.f32 v21, v13;
	v18 =	vld.idx.msk [tilespmem:v17+s12+$0x0], $0xffff  }
0x1ac: {  	v12 =	vor.u32 v4, v12;
	v17 =	vld.idx.msk [tilespmem:v17+s13+$0x0], $0xffff  }
0x1ad: {  	v13 =	vmul.f32 v13, v13;
	v11 =	vsub.f32 v23, v11;
	v20 =	vand.u32 $0xFFFFFFF8, v25  }
0x1ae: {  	v22 =	vand.u32 $0x7, v25;
	v21 =	vld.idx.msk [tilespmem:v19+s12+$0x0], $0xffff;
	v12 =	vadd.s32 v12, v20  }
0x1af: {  	v10 =	vadd.f32 v13, v10;
	v11 =	vmul.f32 v11, v11;
	v12 =	vor.u32 v22, v12;
	v13 =	vld.idx.msk [tilespmem:v14+s12+$0x0], $0xffff  }
0x1b0: {  	v15 =	vsub.f32 v26, v15;
	v14 =	vld.idx.msk [tilespmem:v14+s13+$0x0], $0xffff  }
0x1b1: {  	v10 =	vadd.f32 v11, v10;
	v20 =	vld.idx.msk [tilespmem:v16+s12+$0x0], $0xffff  }
0x1b2: {  	v11 =	vmul.f32 v15, v15;
	v15 =	vsub.f32 v18, v17;
	v16 =	vld.idx.msk [tilespmem:v16+s13+$0x0], $0xffff  }
0x1b3: {  	v17 =	vld.idx.msk [tilespmem:v19+s13+$0x0], $0xffff  }
0x1b4: {  	v10 =	vadd.f32 v11, v10;
	v11 =	vmul.f32 v15, v15;
	v15 =	vld.idx.msk [tilespmem:v12+s12+$0x0], $0xffff  }
0x1b5: {  	v18 =	vld.idx.msk [tilespmem:v12+s13+$0x0], $0xffff  }
0x1b6: {  	v11 =	vadd.f32 v11, v10;
	_ =	swait.ge [sflag:s5], $0x800  }
.Ltmp1:
0x1b7: {  	[sflag:s5] =	ssyncset.done $0x0;
	(pc) =	sbr.rel @p0 .LBB2_4-.Ltmp1, $4  }
0x1b8: {  	v10 =	vsub.f32 v13, v14;
	[sflag:s5] =	ssyncadd.s32 $0xFFFFF800  }
0x1b9: {  	v14 =	vsub.f32 v20, v16;
	v12 =	vsub.f32 v21, v17;
	_ =	swait.ge [sflag:s5], $0x800  }
0x1ba: {  	[sflag:s5] =	ssyncset.done $0x0  }
0x1bb: {  	s17 =	sadd.s32 $0x80, s17;
	v13 =	vmul.f32 v12, v12;
	v12 =	vmul.f32 v14, v14;
	v14 =	vsub.f32 v15, v18;
	[sflag:s5] =	ssyncadd.s32 $0xFFFFF800  }
0x1bc: {  	v15 =	vld [tilespmem:s17+$0xFFFFFFC0];
	_ =	sdelay $0x1  }
0x1bd: {  	v16 =	vld [tilespmem:s17+$0xFFFFFFD0]  }
0x1be: {  	v17 =	vmov s18  }
0x1bf: {  	v20 =	vld [tilespmem:s17+$0xFFFFFFE0];
	v17 =	vshll.u32 v17, $0x4  }
0x1c0: {  	v10 =	vmul.f32 v10, v10;
	v19 =	vor.u32 v0, v17;
	v18 =	vand.u32 $0xFFFFFFF8, v15  }
0x1c1: {  	v33 =	vld [tilespmem:s17+$0xFFFFFFF0];
	v11 =	vadd.f32 v13, v11;
	v15 =	vand.u32 $0x7, v15;
	v18 =	vadd.s32 v19, v18  }
0x1c2: {  	v34 =	vor.u32 v9, v17;
	v35 =	vand.u32 $0xFFFFFFF8, v16;
	v32 =	vor.u32 v15, v18  }
0x1c3: {  	v38 =	vld [tilespmem:s17+$0x0];
	v21 =	vor.u32 v8, v17;
	v36 =	vand.u32 $0x7, v16;
	v37 =	vadd.s32 v34, v35  }
0x1c4: {  	v39 =	vld [tilespmem:s17+$0x30];
	v11 =	vadd.f32 v12, v11;
	v40 =	vand.u32 $0xFFFFFFF8, v20;
	v12 =	vor.u32 v36, v37  }
0x1c5: {  	v41 =	vld [tilespmem:s17+$0x10];
	v14 =	vmul.f32 v14, v14;
	v20 =	vand.u32 $0x7, v20;
	v19 =	vadd.s32 v21, v40  }
0x1c6: {  	v45 =	vld [tilespmem:s17+$0x20];
	v23 =	vor.u32 v7, v17;
	v42 =	vand.u32 $0xFFFFFFF8, v33;
	v19 =	vor.u32 v20, v19  }
0x1c7: {  	v11 =	vadd.f32 v14, v11;
	v43 =	vand.u32 $0x7, v33;
	v44 =	vadd.s32 v23, v42;
	v22 =	vld.idx.msk [tilespmem:v32+s12+$0x0], $0xffff  }
0x1c8: {  	v46 =	vor.u32 v6, v17;
	v47 =	vand.u32 $0xFFFFFFF8, v38;
	v14 =	vor.u32 v43, v44;
	v13 =	vld.idx.msk [tilespmem:v32+s13+$0x0], $0xffff  }
0x1c9: {  	v10 =	vadd.f32 v10, v11;
	v18 =	vand.u32 $0x7, v38;
	v15 =	vadd.s32 v46, v47;
	v11 =	vld.idx.msk [tilespmem:v12+s12+$0x0], $0xffff  }
0x1ca: {  	v48 =	vor.u32 v5, v17;
	v24 =	vand.u32 $0xFFFFFFF8, v41;
	v15 =	vor.u32 v18, v15;
	v12 =	vld.idx.msk [tilespmem:v12+s13+$0x0], $0xffff  }
0x1cb: {  	v50 =	vor.u32 v4, v17;
	v21 =	vand.u32 $0x7, v41;
	v23 =	vadd.s32 v48, v24;
	v25 =	vld.idx.msk [tilespmem:v19+s12+$0x0], $0xffff  }
0x1cc: {  	v17 =	vor.u32 v3, v17;
	v51 =	vand.u32 $0xFFFFFFF8, v45;
	v21 =	vor.u32 v21, v23;
	v19 =	vld.idx.msk [tilespmem:v19+s13+$0x0], $0xffff  }
0x1cd: {  	v20 =	vand.u32 $0x7, v45;
	v23 =	vadd.s32 v50, v51;
	v52 =	vld.idx.msk [tilespmem:v14+s12+$0x0], $0xffff;
	v13 =	vsub.f32 v22, v13  }
0x1ce: {  	v49 =	vand.u32 $0xFFFFFFF8, v39;
	v16 =	vand.u32 $0x7, v39;
	v20 =	vor.u32 v20, v23;
	v14 =	vld.idx.msk [tilespmem:v14+s13+$0x0], $0xffff  }
0x1cf: {  	v17 =	vadd.s32 v17, v49;
	v53 =	vld.idx.msk [tilespmem:v15+s12+$0x0], $0xffff;
	v11 =	vsub.f32 v11, v12;
	v13 =	vmul.f32 v13, v13  }
0x1d0: {  	v16 =	vor.u32 v16, v17;
	v15 =	vld.idx.msk [tilespmem:v15+s13+$0x0], $0xffff  }
0x1d1: {  	v55 =	vld.idx.msk [tilespmem:v21+s12+$0x0], $0xffff;
	v54 =	vsub.f32 v25, v19;
	v11 =	vmul.f32 v11, v11;
	v10 =	vadd.f32 v13, v10  }
0x1d2: {  	v56 =	vld.idx.msk [tilespmem:v21+s13+$0x0], $0xffff  }
0x1d3: {  	v58 =	vld.idx.msk [tilespmem:v20+s12+$0x0], $0xffff;
	v57 =	vsub.f32 v52, v14;
	v10 =	vadd.f32 v11, v10;
	v11 =	vmul.f32 v54, v54  }
0x1d4: {  	v59 =	vld.idx.msk [tilespmem:v20+s13+$0x0], $0xffff  }
0x1d5: {  	v60 =	vld.idx.msk [tilespmem:v16+s12+$0x0], $0xffff;
	v12 =	vsub.f32 v53, v15;
	v10 =	vadd.f32 v11, v10;
	v11 =	vmul.f32 v57, v57  }
0x1d6: {  	v61 =	vld.idx.msk [tilespmem:v16+s13+$0x0], $0xffff  }
0x1d7: {  	v12 =	vmul.f32 v12, v12;
	v10 =	vadd.f32 v11, v10;
	v11 =	vsub.f32 v55, v56;
	_ =	sdelay $0x1  }
0x1d8: {  	v14 =	vsub.f32 v58, v59;
	v11 =	vmul.f32 v11, v11;
	v10 =	vadd.f32 v12, v10;
	_ =	sdelay $0x1  }
0x1d9: {  	v62 =	vsub.f32 v60, v61;
	v63 =	vmul.f32 v14, v14;
	v10 =	vadd.f32 v11, v10;
	_ =	sdelay $0x1  }
0x1da: {  	v11 =	vmul.f32 v62, v62;
	v10 =	vadd.f32 v63, v10;
	_ =	sdelay $0x1  }
0x1db: {  	v10 =	vadd.f32 v11, v10;
	_ =	sdelay $0x1  }
0x1dc: {  	(xrf2) =	vadd.scan.msk.f32 $0xffff, v10;
	_ =	sdelay $0x9  }
0x1dd: {  	v10, _, _ =	vpop (xrf2)  }
0x1de: {  	s16 =	sadd.s32 $0x1, s16;
	v10 =	vbroadcast v10, $0xF  }
0x1df: {  	p0 =	sne.s32 s16, s9  }
.Ltmp2:
0x1e0: {  	[tilespmem:$0x12000] =	vst v10;
	(pc) =	sbr.rel @p0 .LBB2_1-.Ltmp2, $4  }
0x1e1: {  	[hbm4b:s8+s4] =	stream.linear.scatter [tilespmem:s14], [sflag:$0x2], $0x10, $0x38;
	[tilespmem:$0x12010] =	vst v63  }
0x1e2: {  	_ =	swait.ge [sflag:s15], $0x10  }
0x1e3: {  	[sflag:s15] =	ssyncset.done $0x0  }
0x1e4: {  	[sflag:s15] =	ssyncadd.s32 $0xFFFFFFF0  }
0x1e5: {  	_ =	sfence.sel $0x180000  }
0x1e6: {  	[bflag:$0x0] =	sbarrier.arrive $0xFFFF  }
0x1e7: {  	p0 =	sne.s32 s3, $0x0;
	_ =	strace $0x90000047  }
0x1e8: {  	s0 =	sadd.s32 @!p0 $0x100000, s0;
	[bflag:$0x2] =	sbarrier.arrive $0xFFFF  }
0x1e9: {  	[sflag:s0] =	ssyncadd.tile.s32 @!p0 $0x1;
	_ =	shalt  }
.Lfunc_end2:
_tile_overlayer_lowered:
.L_overlay_start_2:
0x1ea: {  	(tag) =	ssettag $0x2  }
0x1eb: {  	s0 =	rddreg [dreg:$0x0];
	s2 =	stileid.u32  }
0x1ec: {  	s1 =	rddreg [dreg:$0x1];
	p0 =	sne.s32 s2, $0x0  }
0x1ed: {  	s3 =	rddreg [dreg:$0x2];
	[bflag:$0x3] =	sbarrier.arrive $0xFFFF;
	s2 =	simm.s32 @!p0 $0x1C02  }
0x1ee: {  	[timem:s3], [sflag:s2] =	dma.local @!p0 [hbm:s0], s1  }
0x1ef: {  	s0 =	simm.s32 @!p0 $0x2  }
0x1f0: {  	_ =	swait.ge @!p0 [sflag:s0], s1  }
0x1f1: {  	s1 =	ssub.s32 @!p0 $0x0, s1;
	[sflag:s0] =	ssyncset.done @!p0 $0x0  }
0x1f2: {  	[sflag:s0] =	ssyncadd.s32 @!p0 s1  }
0x1f3: {  	[bflag:$0x3] =	sbarrier.arrive $0xFFFF  }
0x1f4: {  	_ =	shalt  }

</sc_bundles>
